<compile_context>
chip_gen: v7x
topology: tpu7x:2x2x1
jax: 0.10.2.dev20260603
libtpu: 0.0.44.dev20260713+nightly
codegen_flags: <defaults>
</compile_context>

<pallas_src>
import jax
import jax.numpy as jnp
from jax import lax
from jax.experimental import pallas as pl
from jax.experimental.pallas import tpu as pltpu
from jax.experimental.pallas import tpu_sc as plsc

_NUM_VIEWS = 8
_PROMPT_LEN = 50
_DIM = 768
_BATCH = 1024
_PLEN_PAD = 56
_PLEN_SC = 24
_TAIL = _PROMPT_LEN - _PLEN_SC

_info = plsc.get_sparse_core_info()
_NC, _NS = _info.num_cores, _info.num_subcores
_NW = _NC * _NS
_BPW = _BATCH // _NW
_NBUF = 3
_BB = 64


def _sc_gather(view_id, table):
    mesh = plsc.VectorSubcoreMesh(core_axis_name="c", subcore_axis_name="s")

    @pl.kernel(
        mesh=mesh,
        out_type=jax.ShapeDtypeStruct((_BATCH, _PROMPT_LEN, _DIM), jnp.float32),
        scratch_types=[
            pltpu.VMEM((_BPW, 1), jnp.int32),
            pltpu.VMEM((1, _PLEN_SC, _DIM), jnp.float32),
            pltpu.VMEM((1, _PLEN_SC, _DIM), jnp.float32),
            pltpu.VMEM((1, _PLEN_SC, _DIM), jnp.float32),
            pltpu.SemaphoreType.DMA,
            pltpu.SemaphoreType.DMA,
            pltpu.SemaphoreType.DMA,
            pltpu.SemaphoreType.DMA,
            pltpu.SemaphoreType.DMA,
            pltpu.SemaphoreType.DMA,
        ],
    )
    def k(idx_hbm, table_hbm, out_hbm, idx_v, b0, b1, b2, g0, g1, g2, s0, s1, s2):
        wid = lax.axis_index("s") * _NC + lax.axis_index("c")
        base = wid * _BPW
        bufs, gsems, ssems = (b0, b1, b2), (g0, g1, g2), (s0, s1, s2)

        def start_gather(j, b):
            pltpu.make_async_copy(
                table_hbm.at[idx_v.at[j]], bufs[b], gsems[b]
            ).start()

        def wait_gather(b):
            pltpu.make_async_copy(
                table_hbm.at[pl.ds(0, 1)], bufs[b], gsems[b]
            ).wait()

        def start_scatter(j, b):
            pltpu.make_async_copy(
                bufs[b],
                out_hbm.at[pl.ds(base + j, 1), pl.ds(0, _PLEN_SC), :],
                ssems[b],
            ).start()

        def wait_scatter(b):
            pltpu.make_async_copy(
                bufs[b],
                out_hbm.at[pl.ds(base, 1), pl.ds(0, _PLEN_SC), :],
                ssems[b],
            ).wait()

        pltpu.sync_copy(idx_hbm.at[pl.ds(base, _BPW)], idx_v)
        for b in range(_NBUF):
            start_gather(b, b)

        def body(i, _):
            for b in range(_NBUF):
                j = _NBUF * i + b
                wait_gather(b)
                start_scatter(j, b)
            for b in range(_NBUF):
                j = _NBUF * i + b
                wait_scatter(b)

                @pl.when(j + _NBUF < _BPW)
                def _():
                    start_gather(j + _NBUF, b)

            return ()

        lax.fori_loop(0, _BPW // _NBUF, body, (), unroll=False)
        for j in range((_BPW // _NBUF) * _NBUF, _BPW):
            b = j % _NBUF
            wait_gather(b)
            start_scatter(j, b)
            wait_scatter(b)

    return k(view_id.reshape(_BATCH, 1), table)


def _tc_tail(view_id, prompts, sc_out):
    def body(idx_ref, tbl_ref, _aliased_ref, out_ref, stage, sem):
        i = pl.program_id(0)
        for r in range(_BB):
            v = idx_ref[i * _BB + r]
            stage[r] = tbl_ref[v, pl.ds(_PLEN_SC, _TAIL), :]
        copy = pltpu.make_async_copy(
            stage,
            out_ref.at[pl.ds(i * _BB, _BB), pl.ds(_PLEN_SC, _TAIL), :],
            sem,
        )
        copy.start()
        copy.wait()

    return pl.pallas_call(
        body,
        grid_spec=pltpu.PrefetchScalarGridSpec(
            num_scalar_prefetch=1,
            grid=(_BATCH // _BB,),
            in_specs=[
                pl.BlockSpec((_NUM_VIEWS, _PROMPT_LEN, _DIM), lambda i, idx: (0, 0, 0)),
                pl.BlockSpec(memory_space=pltpu.HBM),
            ],
            out_specs=pl.BlockSpec(memory_space=pltpu.HBM),
            scratch_shapes=[
                pltpu.VMEM((_BB, _TAIL, _DIM), jnp.float32),
                pltpu.SemaphoreType.DMA,
            ],
        ),
        out_shape=jax.ShapeDtypeStruct((_BATCH, _PROMPT_LEN, _DIM), jnp.float32),
        input_output_aliases={2: 0},
    )(view_id, prompts, sc_out)


def kernel(view_id, prompts):
    idx = view_id.astype(jnp.int32)
    table_sc = prompts[:, :_PLEN_SC, :]
    sc_out = _sc_gather(idx, table_sc)
    return _tc_tail(idx, prompts, sc_out)

# --- scband reference (transcript-rebuilt; emitter-appended) ---
"""Pipeline reference for scband-view-prompt-78847009620662 (READ-ONLY COPY).

The authoritative reference and input builder live on the scoring server;
editing this copy changes nothing except your own understanding.
"""

import jax, jax.numpy as jnp
import numpy as np

NUM_VIEWS = 8
PROMPT_LEN = 50
DIM = 768
BATCH = 1024

def setup_inputs(seed: int = 0) -> dict:
    key = jax.random.key(seed)
    k1, k2 = jax.random.split(key)
    view_id = jax.random.randint(k1, (BATCH,), 0, NUM_VIEWS, dtype=jnp.int64 if jax.config.jax_enable_x64 else jnp.int32)
    # trunc_normal_(std=0.02) approximated by truncated normal scaled by std
    prompts = jax.random.truncated_normal(k2, -2.0, 2.0, (NUM_VIEWS, PROMPT_LEN, DIM), dtype=jnp.float32) * 0.02
    return {"view_id": view_id, "prompts": prompts}

def reference(view_id, prompts):
    # self.prompts[view_id] -> gather rows along axis 0
    return jnp.take(prompts, view_id, axis=0)

if __name__ == "__main__":
    import jax
    _d = setup_inputs()
    print(jax.jit(kernel)(*tuple(_d.values())))

</pallas_src>

<mosaic_0001>
#map = affine_map<(d0, d1) -> (0, 0)>
#map1 = affine_map<(d0, d1) -> (0, 0, 0)>
module attributes {stable_mosaic.version = 14 : i64} {
  func.func @k(%arg0: i32, %arg1: i32, %arg2: memref<1024x1xi32, #tpu.memory_space<hbm>>, %arg3: memref<8x24x768xf32, #tpu.memory_space<hbm>>, %arg4: memref<1024x50x768xf32, #tpu.memory_space<hbm>>, %arg5: memref<32x1xi32, #tpu.memory_space<vmem>>, %arg6: memref<1x24x768xf32, #tpu.memory_space<vmem>>, %arg7: memref<1x24x768xf32, #tpu.memory_space<vmem>>, %arg8: memref<1x24x768xf32, #tpu.memory_space<vmem>>, %arg9: memref<!tpu.dma_semaphore, #tpu.memory_space<semaphore_mem>>, %arg10: memref<!tpu.dma_semaphore, #tpu.memory_space<semaphore_mem>>, %arg11: memref<!tpu.dma_semaphore, #tpu.memory_space<semaphore_mem>>, %arg12: memref<!tpu.dma_semaphore, #tpu.memory_space<semaphore_mem>>, %arg13: memref<!tpu.dma_semaphore, #tpu.memory_space<semaphore_mem>>, %arg14: memref<!tpu.dma_semaphore, #tpu.memory_space<semaphore_mem>>) attributes {dimension_semantics = [#tpu.dimension_semantics<core_parallel>, #tpu.dimension_semantics<subcore_parallel>], iteration_bounds = array<i64: 2, 16>, scalar_prefetch = 0 : i64, scratch_operands = 10 : i64, tpu.core_type = #tpu.core_type<sc_vector_subcore>, window_params = [{transform_indices = #map}, {transform_indices = #map1}, {transform_indices = #map1}]} {
    %mul3A = arith.constant 2 : i32
    %mul3A_0 = arith.muli %arg1, %mul3A : i32
    %add3A = arith.addi %mul3A_0, %arg0 : i32
    %mul3A_1 = arith.constant 32 : i32
    %mul3A_2 = arith.muli %add3A, %mul3A_1 : i32
    "tpu.region"() ({
      %run_scoped3A = tpu.sem_alloc : memref<!tpu.dma_semaphore, #tpu.memory_space<semaphore_mem>>
      %dma_start3A_73 = arith.constant 0 : i32
      %dma_start3A_74 = tpu.memref_slice %arg2[%mul3A_2, %dma_start3A_73] : memref<1024x1xi32, #tpu.memory_space<hbm>> -> memref<32x1xi32, #tpu.memory_space<hbm>>
      %dma_start3A_75 = arith.constant 0 : i32
      %dma_start3A_76 = tpu.memref_slice %arg2[%mul3A_2, %dma_start3A_75] : memref<1024x1xi32, #tpu.memory_space<hbm>> -> memref<32x1xi32, #tpu.memory_space<hbm>>
      tpu.enqueue_dma source(%dma_start3A_76 : memref<32x1xi32, #tpu.memory_space<hbm>>) target(%arg5 : memref<32x1xi32, #tpu.memory_space<vmem>>) target_semaphore(%run_scoped3A : memref<!tpu.dma_semaphore, #tpu.memory_space<semaphore_mem>>)
      %dma_wait3A_77 = arith.constant 0 : i32
      %dma_wait3A_78 = tpu.memref_slice %arg2[%mul3A_2, %dma_wait3A_77] : memref<1024x1xi32, #tpu.memory_space<hbm>> -> memref<32x1xi32, #tpu.memory_space<hbm>>
      %dma_wait3A_79 = arith.constant 0 : i32
      %dma_wait3A_80 = tpu.memref_slice %arg2[%mul3A_2, %dma_wait3A_79] : memref<1024x1xi32, #tpu.memory_space<hbm>> -> memref<32x1xi32, #tpu.memory_space<hbm>>
      tpu.wait_dma2 semaphore(%run_scoped3A : memref<!tpu.dma_semaphore, #tpu.memory_space<semaphore_mem>>) src(%dma_wait3A_80 : memref<32x1xi32, #tpu.memory_space<hbm>>) dst(%arg5 : memref<32x1xi32, #tpu.memory_space<vmem>>)
      tpu.yield
    }) : () -> ()
    %dma_start3A = arith.constant 0 : i32
    %dma_start3A_3 = arith.constant 0 : i32
    %dma_start3A_4 = tpu.memref_slice %arg5[%dma_start3A, %dma_start3A_3] : memref<32x1xi32, #tpu.memory_space<vmem>> -> memref<1x1xi32, #tpu.memory_space<vmem>>
    %dma_start3A_5 = tpu.memref_squeeze %dma_start3A_4 : memref<1x1xi32, #tpu.memory_space<vmem>> -> memref<1xi32, #tpu.memory_space<vmem>>
    %dma_start3A_6 = arith.constant 0 : i32
    %dma_start3A_7 = arith.constant 0 : i32
    %dma_start3A_8 = arith.constant 0 : i32
    %dma_start3A_9 = tpu.memref_slice %arg3[%dma_start3A_6, %dma_start3A_7, %dma_start3A_8] : memref<8x24x768xf32, #tpu.memory_space<hbm>> -> memref<8x24x768xf32, #tpu.memory_space<hbm>>
    tpu.enqueue_indirect_dma source(%dma_start3A_9 : memref<8x24x768xf32, #tpu.memory_space<hbm>>) target(%arg6 : memref<1x24x768xf32, #tpu.memory_space<vmem>>) offsets(%dma_start3A_5 : memref<1xi32, #tpu.memory_space<vmem>>) semaphore(%arg9 : memref<!tpu.dma_semaphore, #tpu.memory_space<semaphore_mem>>)
    %dma_start3A_10 = arith.constant 1 : i32
    %dma_start3A_11 = arith.constant 0 : i32
    %dma_start3A_12 = tpu.memref_slice %arg5[%dma_start3A_10, %dma_start3A_11] : memref<32x1xi32, #tpu.memory_space<vmem>> -> memref<1x1xi32, #tpu.memory_space<vmem>>
    %dma_start3A_13 = tpu.memref_squeeze %dma_start3A_12 : memref<1x1xi32, #tpu.memory_space<vmem>> -> memref<1xi32, #tpu.memory_space<vmem>>
    %dma_start3A_14 = arith.constant 0 : i32
    %dma_start3A_15 = arith.constant 0 : i32
    %dma_start3A_16 = arith.constant 0 : i32
    %dma_start3A_17 = tpu.memref_slice %arg3[%dma_start3A_14, %dma_start3A_15, %dma_start3A_16] : memref<8x24x768xf32, #tpu.memory_space<hbm>> -> memref<8x24x768xf32, #tpu.memory_space<hbm>>
    tpu.enqueue_indirect_dma source(%dma_start3A_17 : memref<8x24x768xf32, #tpu.memory_space<hbm>>) target(%arg7 : memref<1x24x768xf32, #tpu.memory_space<vmem>>) offsets(%dma_start3A_13 : memref<1xi32, #tpu.memory_space<vmem>>) semaphore(%arg10 : memref<!tpu.dma_semaphore, #tpu.memory_space<semaphore_mem>>)
    %dma_start3A_18 = arith.constant 2 : i32
    %dma_start3A_19 = arith.constant 0 : i32
    %dma_start3A_20 = tpu.memref_slice %arg5[%dma_start3A_18, %dma_start3A_19] : memref<32x1xi32, #tpu.memory_space<vmem>> -> memref<1x1xi32, #tpu.memory_space<vmem>>
    %dma_start3A_21 = tpu.memref_squeeze %dma_start3A_20 : memref<1x1xi32, #tpu.memory_space<vmem>> -> memref<1xi32, #tpu.memory_space<vmem>>
    %dma_start3A_22 = arith.constant 0 : i32
    %dma_start3A_23 = arith.constant 0 : i32
    %dma_start3A_24 = arith.constant 0 : i32
    %dma_start3A_25 = tpu.memref_slice %arg3[%dma_start3A_22, %dma_start3A_23, %dma_start3A_24] : memref<8x24x768xf32, #tpu.memory_space<hbm>> -> memref<8x24x768xf32, #tpu.memory_space<hbm>>
    tpu.enqueue_indirect_dma source(%dma_start3A_25 : memref<8x24x768xf32, #tpu.memory_space<hbm>>) target(%arg8 : memref<1x24x768xf32, #tpu.memory_space<vmem>>) offsets(%dma_start3A_21 : memref<1xi32, #tpu.memory_space<vmem>>) semaphore(%arg11 : memref<!tpu.dma_semaphore, #tpu.memory_space<semaphore_mem>>)
    %scan3A = arith.constant 0 : i32
    %scan3A_26 = arith.constant 10 : i32
    %scan3A_27 = arith.addi %scan3A, %scan3A_26 : i32
    %scan3A_28 = arith.constant 1 : i32
    scf.for %scan3A_73 = %scan3A to %scan3A_27 step %scan3A_28  : i32 {
      %mul3A_74 = arith.constant 3 : i32
      %mul3A_75 = arith.muli %mul3A_74, %scan3A_73 : i32
      %add3A_76 = arith.constant 0 : i32
      %add3A_77 = arith.addi %mul3A_75, %add3A_76 : i32
      %dma_wait3A_78 = arith.constant 0 : i32
      %dma_wait3A_79 = arith.constant 0 : i32
      %dma_wait3A_80 = arith.constant 0 : i32
      %dma_wait3A_81 = tpu.memref_slice %arg3[%dma_wait3A_78, %dma_wait3A_79, %dma_wait3A_80] : memref<8x24x768xf32, #tpu.memory_space<hbm>> -> memref<1x24x768xf32, #tpu.memory_space<hbm>>
      %dma_wait3A_82 = arith.constant 0 : i32
      %dma_wait3A_83 = arith.constant 0 : i32
      %dma_wait3A_84 = arith.constant 0 : i32
      %dma_wait3A_85 = tpu.memref_slice %arg3[%dma_wait3A_82, %dma_wait3A_83, %dma_wait3A_84] : memref<8x24x768xf32, #tpu.memory_space<hbm>> -> memref<1x24x768xf32, #tpu.memory_space<hbm>>
      tpu.wait_dma2 semaphore(%arg9 : memref<!tpu.dma_semaphore, #tpu.memory_space<semaphore_mem>>) src(%dma_wait3A_85 : memref<1x24x768xf32, #tpu.memory_space<hbm>>) dst(%arg6 : memref<1x24x768xf32, #tpu.memory_space<vmem>>)
      %add3A_86 = arith.addi %mul3A_2, %add3A_77 : i32
      %dma_start3A_87 = arith.constant 0 : i32
      %dma_start3A_88 = arith.constant 0 : i32
      %dma_start3A_89 = tpu.memref_slice %arg4[%add3A_86, %dma_start3A_87, %dma_start3A_88] : memref<1024x50x768xf32, #tpu.memory_space<hbm>> -> memref<1x24x768xf32, #tpu.memory_space<hbm>>
      %dma_start3A_90 = arith.constant 0 : i32
      %dma_start3A_91 = arith.constant 0 : i32
      %dma_start3A_92 = tpu.memref_slice %arg4[%add3A_86, %dma_start3A_90, %dma_start3A_91] : memref<1024x50x768xf32, #tpu.memory_space<hbm>> -> memref<1x24x768xf32, #tpu.memory_space<hbm>>
      tpu.enqueue_dma source(%arg6 : memref<1x24x768xf32, #tpu.memory_space<vmem>>) target(%dma_start3A_92 : memref<1x24x768xf32, #tpu.memory_space<hbm>>) target_semaphore(%arg12 : memref<!tpu.dma_semaphore, #tpu.memory_space<semaphore_mem>>)
      %mul3A_93 = arith.constant 3 : i32
      %mul3A_94 = arith.muli %mul3A_93, %scan3A_73 : i32
      %add3A_95 = arith.constant 1 : i32
      %add3A_96 = arith.addi %mul3A_94, %add3A_95 : i32
      %dma_wait3A_97 = arith.constant 0 : i32
      %dma_wait3A_98 = arith.constant 0 : i32
      %dma_wait3A_99 = arith.constant 0 : i32
      %dma_wait3A_100 = tpu.memref_slice %arg3[%dma_wait3A_97, %dma_wait3A_98, %dma_wait3A_99] : memref<8x24x768xf32, #tpu.memory_space<hbm>> -> memref<1x24x768xf32, #tpu.memory_space<hbm>>
      %dma_wait3A_101 = arith.constant 0 : i32
      %dma_wait3A_102 = arith.constant 0 : i32
      %dma_wait3A_103 = arith.constant 0 : i32
      %dma_wait3A_104 = tpu.memref_slice %arg3[%dma_wait3A_101, %dma_wait3A_102, %dma_wait3A_103] : memref<8x24x768xf32, #tpu.memory_space<hbm>> -> memref<1x24x768xf32, #tpu.memory_space<hbm>>
      tpu.wait_dma2 semaphore(%arg10 : memref<!tpu.dma_semaphore, #tpu.memory_space<semaphore_mem>>) src(%dma_wait3A_104 : memref<1x24x768xf32, #tpu.memory_space<hbm>>) dst(%arg7 : memref<1x24x768xf32, #tpu.memory_space<vmem>>)
      %add3A_105 = arith.addi %mul3A_2, %add3A_96 : i32
      %dma_start3A_106 = arith.constant 0 : i32
      %dma_start3A_107 = arith.constant 0 : i32
      %dma_start3A_108 = tpu.memref_slice %arg4[%add3A_105, %dma_start3A_106, %dma_start3A_107] : memref<1024x50x768xf32, #tpu.memory_space<hbm>> -> memref<1x24x768xf32, #tpu.memory_space<hbm>>
      %dma_start3A_109 = arith.constant 0 : i32
      %dma_start3A_110 = arith.constant 0 : i32
      %dma_start3A_111 = tpu.memref_slice %arg4[%add3A_105, %dma_start3A_109, %dma_start3A_110] : memref<1024x50x768xf32, #tpu.memory_space<hbm>> -> memref<1x24x768xf32, #tpu.memory_space<hbm>>
      tpu.enqueue_dma source(%arg7 : memref<1x24x768xf32, #tpu.memory_space<vmem>>) target(%dma_start3A_111 : memref<1x24x768xf32, #tpu.memory_space<hbm>>) target_semaphore(%arg13 : memref<!tpu.dma_semaphore, #tpu.memory_space<semaphore_mem>>)
      %mul3A_112 = arith.constant 3 : i32
      %mul3A_113 = arith.muli %mul3A_112, %scan3A_73 : i32
      %add3A_114 = arith.constant 2 : i32
      %add3A_115 = arith.addi %mul3A_113, %add3A_114 : i32
      %dma_wait3A_116 = arith.constant 0 : i32
      %dma_wait3A_117 = arith.constant 0 : i32
      %dma_wait3A_118 = arith.constant 0 : i32
      %dma_wait3A_119 = tpu.memref_slice %arg3[%dma_wait3A_116, %dma_wait3A_117, %dma_wait3A_118] : memref<8x24x768xf32, #tpu.memory_space<hbm>> -> memref<1x24x768xf32, #tpu.memory_space<hbm>>
      %dma_wait3A_120 = arith.constant 0 : i32
      %dma_wait3A_121 = arith.constant 0 : i32
      %dma_wait3A_122 = arith.constant 0 : i32
      %dma_wait3A_123 = tpu.memref_slice %arg3[%dma_wait3A_120, %dma_wait3A_121, %dma_wait3A_122] : memref<8x24x768xf32, #tpu.memory_space<hbm>> -> memref<1x24x768xf32, #tpu.memory_space<hbm>>
      tpu.wait_dma2 semaphore(%arg11 : memref<!tpu.dma_semaphore, #tpu.memory_space<semaphore_mem>>) src(%dma_wait3A_123 : memref<1x24x768xf32, #tpu.memory_space<hbm>>) dst(%arg8 : memref<1x24x768xf32, #tpu.memory_space<vmem>>)
      %add3A_124 = arith.addi %mul3A_2, %add3A_115 : i32
      %dma_start3A_125 = arith.constant 0 : i32
      %dma_start3A_126 = arith.constant 0 : i32
      %dma_start3A_127 = tpu.memref_slice %arg4[%add3A_124, %dma_start3A_125, %dma_start3A_126] : memref<1024x50x768xf32, #tpu.memory_space<hbm>> -> memref<1x24x768xf32, #tpu.memory_space<hbm>>
      %dma_start3A_128 = arith.constant 0 : i32
      %dma_start3A_129 = arith.constant 0 : i32
      %dma_start3A_130 = tpu.memref_slice %arg4[%add3A_124, %dma_start3A_128, %dma_start3A_129] : memref<1024x50x768xf32, #tpu.memory_space<hbm>> -> memref<1x24x768xf32, #tpu.memory_space<hbm>>
      tpu.enqueue_dma source(%arg8 : memref<1x24x768xf32, #tpu.memory_space<vmem>>) target(%dma_start3A_130 : memref<1x24x768xf32, #tpu.memory_space<hbm>>) target_semaphore(%arg14 : memref<!tpu.dma_semaphore, #tpu.memory_space<semaphore_mem>>)
      %mul3A_131 = arith.constant 3 : i32
      %mul3A_132 = arith.muli %mul3A_131, %scan3A_73 : i32
      %add3A_133 = arith.constant 0 : i32
      %add3A_134 = arith.addi %mul3A_132, %add3A_133 : i32
      %dma_wait3A_135 = arith.constant 0 : i32
      %dma_wait3A_136 = arith.constant 0 : i32
      %dma_wait3A_137 = tpu.memref_slice %arg4[%mul3A_2, %dma_wait3A_135, %dma_wait3A_136] : memref<1024x50x768xf32, #tpu.memory_space<hbm>> -> memref<1x24x768xf32, #tpu.memory_space<hbm>>
      %dma_wait3A_138 = arith.constant 0 : i32
      %dma_wait3A_139 = arith.constant 0 : i32
      %dma_wait3A_140 = tpu.memref_slice %arg4[%mul3A_2, %dma_wait3A_138, %dma_wait3A_139] : memref<1024x50x768xf32, #tpu.memory_space<hbm>> -> memref<1x24x768xf32, #tpu.memory_space<hbm>>
      tpu.wait_dma2 semaphore(%arg12 : memref<!tpu.dma_semaphore, #tpu.memory_space<semaphore_mem>>) src(%arg6 : memref<1x24x768xf32, #tpu.memory_space<vmem>>) dst(%dma_wait3A_140 : memref<1x24x768xf32, #tpu.memory_space<hbm>>)
      %add3A_141 = arith.constant 3 : i32
      %add3A_142 = arith.addi %add3A_134, %add3A_141 : i32
      %lt3A = arith.constant 32 : i32
      %lt3A_143 = arith.cmpi slt, %add3A_142, %lt3A : i32
      %convert_element_type3A = arith.extui %lt3A_143 : i1 to i32
      %cond3A = arith.constant 0 : i32
      %cond3A_144 = arith.cmpi ne, %convert_element_type3A, %cond3A : i32
      scf.if %cond3A_144 {
        %add3A_179 = arith.constant 3 : i32
        %add3A_180 = arith.addi %add3A_134, %add3A_179 : i32
        %dma_start3A_181 = arith.constant 0 : i32
        %dma_start3A_182 = tpu.memref_slice %arg5[%add3A_180, %dma_start3A_181] : memref<32x1xi32, #tpu.memory_space<vmem>> -> memref<1x1xi32, #tpu.memory_space<vmem>>
        %dma_start3A_183 = tpu.memref_squeeze %dma_start3A_182 : memref<1x1xi32, #tpu.memory_space<vmem>> -> memref<1xi32, #tpu.memory_space<vmem>>
        %dma_start3A_184 = arith.constant 0 : i32
        %dma_start3A_185 = arith.constant 0 : i32
        %dma_start3A_186 = arith.constant 0 : i32
        %dma_start3A_187 = tpu.memref_slice %arg3[%dma_start3A_184, %dma_start3A_185, %dma_start3A_186] : memref<8x24x768xf32, #tpu.memory_space<hbm>> -> memref<8x24x768xf32, #tpu.memory_space<hbm>>
        tpu.enqueue_indirect_dma source(%dma_start3A_187 : memref<8x24x768xf32, #tpu.memory_space<hbm>>) target(%arg6 : memref<1x24x768xf32, #tpu.memory_space<vmem>>) offsets(%dma_start3A_183 : memref<1xi32, #tpu.memory_space<vmem>>) semaphore(%arg9 : memref<!tpu.dma_semaphore, #tpu.memory_space<semaphore_mem>>)
      } else {
      }
      %mul3A_145 = arith.constant 3 : i32
      %mul3A_146 = arith.muli %mul3A_145, %scan3A_73 : i32
      %add3A_147 = arith.constant 1 : i32
      %add3A_148 = arith.addi %mul3A_146, %add3A_147 : i32
      %dma_wait3A_149 = arith.constant 0 : i32
      %dma_wait3A_150 = arith.constant 0 : i32
      %dma_wait3A_151 = tpu.memref_slice %arg4[%mul3A_2, %dma_wait3A_149, %dma_wait3A_150] : memref<1024x50x768xf32, #tpu.memory_space<hbm>> -> memref<1x24x768xf32, #tpu.memory_space<hbm>>
      %dma_wait3A_152 = arith.constant 0 : i32
      %dma_wait3A_153 = arith.constant 0 : i32
      %dma_wait3A_154 = tpu.memref_slice %arg4[%mul3A_2, %dma_wait3A_152, %dma_wait3A_153] : memref<1024x50x768xf32, #tpu.memory_space<hbm>> -> memref<1x24x768xf32, #tpu.memory_space<hbm>>
      tpu.wait_dma2 semaphore(%arg13 : memref<!tpu.dma_semaphore, #tpu.memory_space<semaphore_mem>>) src(%arg7 : memref<1x24x768xf32, #tpu.memory_space<vmem>>) dst(%dma_wait3A_154 : memref<1x24x768xf32, #tpu.memory_space<hbm>>)
      %add3A_155 = arith.constant 3 : i32
      %add3A_156 = arith.addi %add3A_148, %add3A_155 : i32
      %lt3A_157 = arith.constant 32 : i32
      %lt3A_158 = arith.cmpi slt, %add3A_156, %lt3A_157 : i32
      %convert_element_type3A_159 = arith.extui %lt3A_158 : i1 to i32
      %cond3A_160 = arith.constant 0 : i32
      %cond3A_161 = arith.cmpi ne, %convert_element_type3A_159, %cond3A_160 : i32
      scf.if %cond3A_161 {
        %add3A_179 = arith.constant 3 : i32
        %add3A_180 = arith.addi %add3A_148, %add3A_179 : i32
        %dma_start3A_181 = arith.constant 0 : i32
        %dma_start3A_182 = tpu.memref_slice %arg5[%add3A_180, %dma_start3A_181] : memref<32x1xi32, #tpu.memory_space<vmem>> -> memref<1x1xi32, #tpu.memory_space<vmem>>
        %dma_start3A_183 = tpu.memref_squeeze %dma_start3A_182 : memref<1x1xi32, #tpu.memory_space<vmem>> -> memref<1xi32, #tpu.memory_space<vmem>>
        %dma_start3A_184 = arith.constant 0 : i32
        %dma_start3A_185 = arith.constant 0 : i32
        %dma_start3A_186 = arith.constant 0 : i32
        %dma_start3A_187 = tpu.memref_slice %arg3[%dma_start3A_184, %dma_start3A_185, %dma_start3A_186] : memref<8x24x768xf32, #tpu.memory_space<hbm>> -> memref<8x24x768xf32, #tpu.memory_space<hbm>>
        tpu.enqueue_indirect_dma source(%dma_start3A_187 : memref<8x24x768xf32, #tpu.memory_space<hbm>>) target(%arg7 : memref<1x24x768xf32, #tpu.memory_space<vmem>>) offsets(%dma_start3A_183 : memref<1xi32, #tpu.memory_space<vmem>>) semaphore(%arg10 : memref<!tpu.dma_semaphore, #tpu.memory_space<semaphore_mem>>)
      } else {
      }
      %mul3A_162 = arith.constant 3 : i32
      %mul3A_163 = arith.muli %mul3A_162, %scan3A_73 : i32
      %add3A_164 = arith.constant 2 : i32
      %add3A_165 = arith.addi %mul3A_163, %add3A_164 : i32
      %dma_wait3A_166 = arith.constant 0 : i32
      %dma_wait3A_167 = arith.constant 0 : i32
      %dma_wait3A_168 = tpu.memref_slice %arg4[%mul3A_2, %dma_wait3A_166, %dma_wait3A_167] : memref<1024x50x768xf32, #tpu.memory_space<hbm>> -> memref<1x24x768xf32, #tpu.memory_space<hbm>>
      %dma_wait3A_169 = arith.constant 0 : i32
      %dma_wait3A_170 = arith.constant 0 : i32
      %dma_wait3A_171 = tpu.memref_slice %arg4[%mul3A_2, %dma_wait3A_169, %dma_wait3A_170] : memref<1024x50x768xf32, #tpu.memory_space<hbm>> -> memref<1x24x768xf32, #tpu.memory_space<hbm>>
      tpu.wait_dma2 semaphore(%arg14 : memref<!tpu.dma_semaphore, #tpu.memory_space<semaphore_mem>>) src(%arg8 : memref<1x24x768xf32, #tpu.memory_space<vmem>>) dst(%dma_wait3A_171 : memref<1x24x768xf32, #tpu.memory_space<hbm>>)
      %add3A_172 = arith.constant 3 : i32
      %add3A_173 = arith.addi %add3A_165, %add3A_172 : i32
      %lt3A_174 = arith.constant 32 : i32
      %lt3A_175 = arith.cmpi slt, %add3A_173, %lt3A_174 : i32
      %convert_element_type3A_176 = arith.extui %lt3A_175 : i1 to i32
      %cond3A_177 = arith.constant 0 : i32
      %cond3A_178 = arith.cmpi ne, %convert_element_type3A_176, %cond3A_177 : i32
      scf.if %cond3A_178 {
        %add3A_179 = arith.constant 3 : i32
        %add3A_180 = arith.addi %add3A_165, %add3A_179 : i32
        %dma_start3A_181 = arith.constant 0 : i32
        %dma_start3A_182 = tpu.memref_slice %arg5[%add3A_180, %dma_start3A_181] : memref<32x1xi32, #tpu.memory_space<vmem>> -> memref<1x1xi32, #tpu.memory_space<vmem>>
        %dma_start3A_183 = tpu.memref_squeeze %dma_start3A_182 : memref<1x1xi32, #tpu.memory_space<vmem>> -> memref<1xi32, #tpu.memory_space<vmem>>
        %dma_start3A_184 = arith.constant 0 : i32
        %dma_start3A_185 = arith.constant 0 : i32
        %dma_start3A_186 = arith.constant 0 : i32
        %dma_start3A_187 = tpu.memref_slice %arg3[%dma_start3A_184, %dma_start3A_185, %dma_start3A_186] : memref<8x24x768xf32, #tpu.memory_space<hbm>> -> memref<8x24x768xf32, #tpu.memory_space<hbm>>
        tpu.enqueue_indirect_dma source(%dma_start3A_187 : memref<8x24x768xf32, #tpu.memory_space<hbm>>) target(%arg8 : memref<1x24x768xf32, #tpu.memory_space<vmem>>) offsets(%dma_start3A_183 : memref<1xi32, #tpu.memory_space<vmem>>) semaphore(%arg11 : memref<!tpu.dma_semaphore, #tpu.memory_space<semaphore_mem>>)
      } else {
      }
    }
    %scan3A_29 = arith.constant 10 : i32
    %dma_wait3A = arith.constant 0 : i32
    %dma_wait3A_30 = arith.constant 0 : i32
    %dma_wait3A_31 = arith.constant 0 : i32
    %dma_wait3A_32 = tpu.memref_slice %arg3[%dma_wait3A, %dma_wait3A_30, %dma_wait3A_31] : memref<8x24x768xf32, #tpu.memory_space<hbm>> -> memref<1x24x768xf32, #tpu.memory_space<hbm>>
    %dma_wait3A_33 = arith.constant 0 : i32
    %dma_wait3A_34 = arith.constant 0 : i32
    %dma_wait3A_35 = arith.constant 0 : i32
    %dma_wait3A_36 = tpu.memref_slice %arg3[%dma_wait3A_33, %dma_wait3A_34, %dma_wait3A_35] : memref<8x24x768xf32, #tpu.memory_space<hbm>> -> memref<1x24x768xf32, #tpu.memory_space<hbm>>
    tpu.wait_dma2 semaphore(%arg9 : memref<!tpu.dma_semaphore, #tpu.memory_space<semaphore_mem>>) src(%dma_wait3A_36 : memref<1x24x768xf32, #tpu.memory_space<hbm>>) dst(%arg6 : memref<1x24x768xf32, #tpu.memory_space<vmem>>)
    %add3A_37 = arith.constant 30 : i32
    %add3A_38 = arith.addi %mul3A_2, %add3A_37 : i32
    %dma_start3A_39 = arith.constant 0 : i32
    %dma_start3A_40 = arith.constant 0 : i32
    %dma_start3A_41 = tpu.memref_slice %arg4[%add3A_38, %dma_start3A_39, %dma_start3A_40] : memref<1024x50x768xf32, #tpu.memory_space<hbm>> -> memref<1x24x768xf32, #tpu.memory_space<hbm>>
    %dma_start3A_42 = arith.constant 0 : i32
    %dma_start3A_43 = arith.constant 0 : i32
    %dma_start3A_44 = tpu.memref_slice %arg4[%add3A_38, %dma_start3A_42, %dma_start3A_43] : memref<1024x50x768xf32, #tpu.memory_space<hbm>> -> memref<1x24x768xf32, #tpu.memory_space<hbm>>
    tpu.enqueue_dma source(%arg6 : memref<1x24x768xf32, #tpu.memory_space<vmem>>) target(%dma_start3A_44 : memref<1x24x768xf32, #tpu.memory_space<hbm>>) target_semaphore(%arg12 : memref<!tpu.dma_semaphore, #tpu.memory_space<semaphore_mem>>)
    %dma_wait3A_45 = arith.constant 0 : i32
    %dma_wait3A_46 = arith.constant 0 : i32
    %dma_wait3A_47 = tpu.memref_slice %arg4[%mul3A_2, %dma_wait3A_45, %dma_wait3A_46] : memref<1024x50x768xf32, #tpu.memory_space<hbm>> -> memref<1x24x768xf32, #tpu.memory_space<hbm>>
    %dma_wait3A_48 = arith.constant 0 : i32
    %dma_wait3A_49 = arith.constant 0 : i32
    %dma_wait3A_50 = tpu.memref_slice %arg4[%mul3A_2, %dma_wait3A_48, %dma_wait3A_49] : memref<1024x50x768xf32, #tpu.memory_space<hbm>> -> memref<1x24x768xf32, #tpu.memory_space<hbm>>
    tpu.wait_dma2 semaphore(%arg12 : memref<!tpu.dma_semaphore, #tpu.memory_space<semaphore_mem>>) src(%arg6 : memref<1x24x768xf32, #tpu.memory_space<vmem>>) dst(%dma_wait3A_50 : memref<1x24x768xf32, #tpu.memory_space<hbm>>)
    %dma_wait3A_51 = arith.constant 0 : i32
    %dma_wait3A_52 = arith.constant 0 : i32
    %dma_wait3A_53 = arith.constant 0 : i32
    %dma_wait3A_54 = tpu.memref_slice %arg3[%dma_wait3A_51, %dma_wait3A_52, %dma_wait3A_53] : memref<8x24x768xf32, #tpu.memory_space<hbm>> -> memref<1x24x768xf32, #tpu.memory_space<hbm>>
    %dma_wait3A_55 = arith.constant 0 : i32
    %dma_wait3A_56 = arith.constant 0 : i32
    %dma_wait3A_57 = arith.constant 0 : i32
    %dma_wait3A_58 = tpu.memref_slice %arg3[%dma_wait3A_55, %dma_wait3A_56, %dma_wait3A_57] : memref<8x24x768xf32, #tpu.memory_space<hbm>> -> memref<1x24x768xf32, #tpu.memory_space<hbm>>
    tpu.wait_dma2 semaphore(%arg10 : memref<!tpu.dma_semaphore, #tpu.memory_space<semaphore_mem>>) src(%dma_wait3A_58 : memref<1x24x768xf32, #tpu.memory_space<hbm>>) dst(%arg7 : memref<1x24x768xf32, #tpu.memory_space<vmem>>)
    %add3A_59 = arith.constant 31 : i32
    %add3A_60 = arith.addi %mul3A_2, %add3A_59 : i32
    %dma_start3A_61 = arith.constant 0 : i32
    %dma_start3A_62 = arith.constant 0 : i32
    %dma_start3A_63 = tpu.memref_slice %arg4[%add3A_60, %dma_start3A_61, %dma_start3A_62] : memref<1024x50x768xf32, #tpu.memory_space<hbm>> -> memref<1x24x768xf32, #tpu.memory_space<hbm>>
    %dma_start3A_64 = arith.constant 0 : i32
    %dma_start3A_65 = arith.constant 0 : i32
    %dma_start3A_66 = tpu.memref_slice %arg4[%add3A_60, %dma_start3A_64, %dma_start3A_65] : memref<1024x50x768xf32, #tpu.memory_space<hbm>> -> memref<1x24x768xf32, #tpu.memory_space<hbm>>
    tpu.enqueue_dma source(%arg7 : memref<1x24x768xf32, #tpu.memory_space<vmem>>) target(%dma_start3A_66 : memref<1x24x768xf32, #tpu.memory_space<hbm>>) target_semaphore(%arg13 : memref<!tpu.dma_semaphore, #tpu.memory_space<semaphore_mem>>)
    %dma_wait3A_67 = arith.constant 0 : i32
    %dma_wait3A_68 = arith.constant 0 : i32
    %dma_wait3A_69 = tpu.memref_slice %arg4[%mul3A_2, %dma_wait3A_67, %dma_wait3A_68] : memref<1024x50x768xf32, #tpu.memory_space<hbm>> -> memref<1x24x768xf32, #tpu.memory_space<hbm>>
    %dma_wait3A_70 = arith.constant 0 : i32
    %dma_wait3A_71 = arith.constant 0 : i32
    %dma_wait3A_72 = tpu.memref_slice %arg4[%mul3A_2, %dma_wait3A_70, %dma_wait3A_71] : memref<1024x50x768xf32, #tpu.memory_space<hbm>> -> memref<1x24x768xf32, #tpu.memory_space<hbm>>
    tpu.wait_dma2 semaphore(%arg13 : memref<!tpu.dma_semaphore, #tpu.memory_space<semaphore_mem>>) src(%arg7 : memref<1x24x768xf32, #tpu.memory_space<vmem>>) dst(%dma_wait3A_72 : memref<1x24x768xf32, #tpu.memory_space<hbm>>)
    return
  }
}

module attributes {stable_mosaic.version = 14 : i64} {
  func.func @body(%arg0: i32, %arg1: memref<1024xi32, #tpu.memory_space<smem>>, %arg2: memref<8x50x768xf32, #tpu.memory_space<vmem>>, %arg3: memref<1024x50x768xf32, #tpu.memory_space<hbm>>, %arg4: memref<1024x50x768xf32, #tpu.memory_space<hbm>>, %arg5: memref<64x26x768xf32, #tpu.memory_space<vmem>>, %arg6: memref<!tpu.dma_semaphore, #tpu.memory_space<semaphore_mem>>) attributes {dimension_semantics = [#tpu.dimension_semantics<arbitrary>], iteration_bounds = array<i64: 16>, scalar_prefetch = 1 : i64, scratch_operands = 2 : i64, tpu.core_type = #tpu.core_type<tc>, window_params = [{pipeline_mode = #tpu.pipeline_mode<synchronous>, transform_indices = @transform_0, window_bounds = array<i64: 8, 50, 768>}, {}, {}]} {
    %mul3A = arith.constant 64 : i32
    %mul3A_0 = arith.muli %arg0, %mul3A : i32
    %add3A = arith.constant 0 : i32
    %add3A_1 = arith.addi %mul3A_0, %add3A : i32
    %get3A = arith.index_cast %add3A_1 : i32 to index
    %get3A_2 = memref.load %arg1[%get3A] : memref<1024xi32, #tpu.memory_space<smem>>
    %get3A_3 = arith.index_cast %get3A_2 : i32 to index
    %get3A_4 = arith.constant 24 : index
    %get3A_5 = arith.constant 0 : index
    %get3A_6 = vector.load %arg2[%get3A_3, %get3A_4, %get3A_5] : memref<8x50x768xf32, #tpu.memory_space<vmem>>, vector<1x26x768xf32>
    %get3A_7 = vector.shape_cast %get3A_6 : vector<1x26x768xf32> to vector<26x768xf32>
    %swap3A = arith.constant 0 : index
    %swap3A_8 = arith.constant 0 : index
    %swap3A_9 = arith.constant 0 : index
    %swap3A_10 = vector.load %arg5[%swap3A, %swap3A_8, %swap3A_9] : memref<64x26x768xf32, #tpu.memory_space<vmem>>, vector<1x26x768xf32>
    %swap3A_11 = vector.shape_cast %swap3A_10 : vector<1x26x768xf32> to vector<26x768xf32>
    %swap3A_12 = vector.shape_cast %get3A_7 : vector<26x768xf32> to vector<1x26x768xf32>
    tpu.vector_store %arg5[%swap3A, %swap3A_8, %swap3A_9], %swap3A_12 {strides = array<i32>} : memref<64x26x768xf32, #tpu.memory_space<vmem>>, vector<1x26x768xf32>,
    %mul3A_13 = arith.constant 64 : i32
    %mul3A_14 = arith.muli %arg0, %mul3A_13 : i32
    %add3A_15 = arith.constant 1 : i32
    %add3A_16 = arith.addi %mul3A_14, %add3A_15 : i32
    %get3A_17 = arith.index_cast %add3A_16 : i32 to index
    %get3A_18 = memref.load %arg1[%get3A_17] : memref<1024xi32, #tpu.memory_space<smem>>
    %get3A_19 = arith.index_cast %get3A_18 : i32 to index
    %get3A_20 = arith.constant 24 : index
    %get3A_21 = arith.constant 0 : index
    %get3A_22 = vector.load %arg2[%get3A_19, %get3A_20, %get3A_21] : memref<8x50x768xf32, #tpu.memory_space<vmem>>, vector<1x26x768xf32>
    %get3A_23 = vector.shape_cast %get3A_22 : vector<1x26x768xf32> to vector<26x768xf32>
    %swap3A_24 = arith.constant 1 : index
    %swap3A_25 = arith.constant 0 : index
    %swap3A_26 = arith.constant 0 : index
    %swap3A_27 = vector.load %arg5[%swap3A_24, %swap3A_25, %swap3A_26] : memref<64x26x768xf32, #tpu.memory_space<vmem>>, vector<1x26x768xf32>
    %swap3A_28 = vector.shape_cast %swap3A_27 : vector<1x26x768xf32> to vector<26x768xf32>
    %swap3A_29 = vector.shape_cast %get3A_23 : vector<26x768xf32> to vector<1x26x768xf32>
    tpu.vector_store %arg5[%swap3A_24, %swap3A_25, %swap3A_26], %swap3A_29 {strides = array<i32>} : memref<64x26x768xf32, #tpu.memory_space<vmem>>, vector<1x26x768xf32>,
    %mul3A_30 = arith.constant 64 : i32
    %mul3A_31 = arith.muli %arg0, %mul3A_30 : i32
    %add3A_32 = arith.constant 2 : i32
    %add3A_33 = arith.addi %mul3A_31, %add3A_32 : i32
    %get3A_34 = arith.index_cast %add3A_33 : i32 to index
    %get3A_35 = memref.load %arg1[%get3A_34] : memref<1024xi32, #tpu.memory_space<smem>>
    %get3A_36 = arith.index_cast %get3A_35 : i32 to index
    %get3A_37 = arith.constant 24 : index
    %get3A_38 = arith.constant 0 : index
    %get3A_39 = vector.load %arg2[%get3A_36, %get3A_37, %get3A_38] : memref<8x50x768xf32, #tpu.memory_space<vmem>>, vector<1x26x768xf32>
    %get3A_40 = vector.shape_cast %get3A_39 : vector<1x26x768xf32> to vector<26x768xf32>
    %swap3A_41 = arith.constant 2 : index
    %swap3A_42 = arith.constant 0 : index
    %swap3A_43 = arith.constant 0 : index
    %swap3A_44 = vector.load %arg5[%swap3A_41, %swap3A_42, %swap3A_43] : memref<64x26x768xf32, #tpu.memory_space<vmem>>, vector<1x26x768xf32>
    %swap3A_45 = vector.shape_cast %swap3A_44 : vector<1x26x768xf32> to vector<26x768xf32>
    %swap3A_46 = vector.shape_cast %get3A_40 : vector<26x768xf32> to vector<1x26x768xf32>
    tpu.vector_store %arg5[%swap3A_41, %swap3A_42, %swap3A_43], %swap3A_46 {strides = array<i32>} : memref<64x26x768xf32, #tpu.memory_space<vmem>>, vector<1x26x768xf32>,
    %mul3A_47 = arith.constant 64 : i32
    %mul3A_48 = arith.muli %arg0, %mul3A_47 : i32
    %add3A_49 = arith.constant 3 : i32
    %add3A_50 = arith.addi %mul3A_48, %add3A_49 : i32
    %get3A_51 = arith.index_cast %add3A_50 : i32 to index
    %get3A_52 = memref.load %arg1[%get3A_51] : memref<1024xi32, #tpu.memory_space<smem>>
    %get3A_53 = arith.index_cast %get3A_52 : i32 to index
    %get3A_54 = arith.constant 24 : index
    %get3A_55 = arith.constant 0 : index
    %get3A_56 = vector.load %arg2[%get3A_53, %get3A_54, %get3A_55] : memref<8x50x768xf32, #tpu.memory_space<vmem>>, vector<1x26x768xf32>
    %get3A_57 = vector.shape_cast %get3A_56 : vector<1x26x768xf32> to vector<26x768xf32>
    %swap3A_58 = arith.constant 3 : index
    %swap3A_59 = arith.constant 0 : index
    %swap3A_60 = arith.constant 0 : index
    %swap3A_61 = vector.load %arg5[%swap3A_58, %swap3A_59, %swap3A_60] : memref<64x26x768xf32, #tpu.memory_space<vmem>>, vector<1x26x768xf32>
    %swap3A_62 = vector.shape_cast %swap3A_61 : vector<1x26x768xf32> to vector<26x768xf32>
    %swap3A_63 = vector.shape_cast %get3A_57 : vector<26x768xf32> to vector<1x26x768xf32>
    tpu.vector_store %arg5[%swap3A_58, %swap3A_59, %swap3A_60], %swap3A_63 {strides = array<i32>} : memref<64x26x768xf32, #tpu.memory_space<vmem>>, vector<1x26x768xf32>,
    %mul3A_64 = arith.constant 64 : i32
    %mul3A_65 = arith.muli %arg0, %mul3A_64 : i32
    %add3A_66 = arith.constant 4 : i32
    %add3A_67 = arith.addi %mul3A_65, %add3A_66 : i32
    %get3A_68 = arith.index_cast %add3A_67 : i32 to index
    %get3A_69 = memref.load %arg1[%get3A_68] : memref<1024xi32, #tpu.memory_space<smem>>
    %get3A_70 = arith.index_cast %get3A_69 : i32 to index
    %get3A_71 = arith.constant 24 : index
    %get3A_72 = arith.constant 0 : index
    %get3A_73 = vector.load %arg2[%get3A_70, %get3A_71, %get3A_72] : memref<8x50x768xf32, #tpu.memory_space<vmem>>, vector<1x26x768xf32>
    %get3A_74 = vector.shape_cast %get3A_73 : vector<1x26x768xf32> to vector<26x768xf32>
    %swap3A_75 = arith.constant 4 : index
    %swap3A_76 = arith.constant 0 : index
    %swap3A_77 = arith.constant 0 : index
    %swap3A_78 = vector.load %arg5[%swap3A_75, %swap3A_76, %swap3A_77] : memref<64x26x768xf32, #tpu.memory_space<vmem>>, vector<1x26x768xf32>
    %swap3A_79 = vector.shape_cast %swap3A_78 : vector<1x26x768xf32> to vector<26x768xf32>
    %swap3A_80 = vector.shape_cast %get3A_74 : vector<26x768xf32> to vector<1x26x768xf32>
    tpu.vector_store %arg5[%swap3A_75, %swap3A_76, %swap3A_77], %swap3A_80 {strides = array<i32>} : memref<64x26x768xf32, #tpu.memory_space<vmem>>, vector<1x26x768xf32>,
    %mul3A_81 = arith.constant 64 : i32
    %mul3A_82 = arith.muli %arg0, %mul3A_81 : i32
    %add3A_83 = arith.constant 5 : i32
    %add3A_84 = arith.addi %mul3A_82, %add3A_83 : i32
    %get3A_85 = arith.index_cast %add3A_84 : i32 to index
    %get3A_86 = memref.load %arg1[%get3A_85] : memref<1024xi32, #tpu.memory_space<smem>>
    %get3A_87 = arith.index_cast %get3A_86 : i32 to index
    %get3A_88 = arith.constant 24 : index
    %get3A_89 = arith.constant 0 : index
    %get3A_90 = vector.load %arg2[%get3A_87, %get3A_88, %get3A_89] : memref<8x50x768xf32, #tpu.memory_space<vmem>>, vector<1x26x768xf32>
    %get3A_91 = vector.shape_cast %get3A_90 : vector<1x26x768xf32> to vector<26x768xf32>
    %swap3A_92 = arith.constant 5 : index
    %swap3A_93 = arith.constant 0 : index
    %swap3A_94 = arith.constant 0 : index
    %swap3A_95 = vector.load %arg5[%swap3A_92, %swap3A_93, %swap3A_94] : memref<64x26x768xf32, #tpu.memory_space<vmem>>, vector<1x26x768xf32>
    %swap3A_96 = vector.shape_cast %swap3A_95 : vector<1x26x768xf32> to vector<26x768xf32>
    %swap3A_97 = vector.shape_cast %get3A_91 : vector<26x768xf32> to vector<1x26x768xf32>
    tpu.vector_store %arg5[%swap3A_92, %swap3A_93, %swap3A_94], %swap3A_97 {strides = array<i32>} : memref<64x26x768xf32, #tpu.memory_space<vmem>>, vector<1x26x768xf32>,
    %mul3A_98 = arith.constant 64 : i32
    %mul3A_99 = arith.muli %arg0, %mul3A_98 : i32
    %add3A_100 = arith.constant 6 : i32
    %add3A_101 = arith.addi %mul3A_99, %add3A_100 : i32
    %get3A_102 = arith.index_cast %add3A_101 : i32 to index
    %get3A_103 = memref.load %arg1[%get3A_102] : memref<1024xi32, #tpu.memory_space<smem>>
    %get3A_104 = arith.index_cast %get3A_103 : i32 to index
    %get3A_105 = arith.constant 24 : index
    %get3A_106 = arith.constant 0 : index
    %get3A_107 = vector.load %arg2[%get3A_104, %get3A_105, %get3A_106] : memref<8x50x768xf32, #tpu.memory_space<vmem>>, vector<1x26x768xf32>
    %get3A_108 = vector.shape_cast %get3A_107 : vector<1x26x768xf32> to vector<26x768xf32>
    %swap3A_109 = arith.constant 6 : index
    %swap3A_110 = arith.constant 0 : index
    %swap3A_111 = arith.constant 0 : index
    %swap3A_112 = vector.load %arg5[%swap3A_109, %swap3A_110, %swap3A_111] : memref<64x26x768xf32, #tpu.memory_space<vmem>>, vector<1x26x768xf32>
    %swap3A_113 = vector.shape_cast %swap3A_112 : vector<1x26x768xf32> to vector<26x768xf32>
    %swap3A_114 = vector.shape_cast %get3A_108 : vector<26x768xf32> to vector<1x26x768xf32>
    tpu.vector_store %arg5[%swap3A_109, %swap3A_110, %swap3A_111], %swap3A_114 {strides = array<i32>} : memref<64x26x768xf32, #tpu.memory_space<vmem>>, vector<1x26x768xf32>,
    %mul3A_115 = arith.constant 64 : i32
    %mul3A_116 = arith.muli %arg0, %mul3A_115 : i32
    %add3A_117 = arith.constant 7 : i32
    %add3A_118 = arith.addi %mul3A_116, %add3A_117 : i32
    %get3A_119 = arith.index_cast %add3A_118 : i32 to index
    %get3A_120 = memref.load %arg1[%get3A_119] : memref<1024xi32, #tpu.memory_space<smem>>
    %get3A_121 = arith.index_cast %get3A_120 : i32 to index
    %get3A_122 = arith.constant 24 : index
    %get3A_123 = arith.constant 0 : index
    %get3A_124 = vector.load %arg2[%get3A_121, %get3A_122, %get3A_123] : memref<8x50x768xf32, #tpu.memory_space<vmem>>, vector<1x26x768xf32>
    %get3A_125 = vector.shape_cast %get3A_124 : vector<1x26x768xf32> to vector<26x768xf32>
    %swap3A_126 = arith.constant 7 : index
    %swap3A_127 = arith.constant 0 : index
    %swap3A_128 = arith.constant 0 : index
    %swap3A_129 = vector.load %arg5[%swap3A_126, %swap3A_127, %swap3A_128] : memref<64x26x768xf32, #tpu.memory_space<vmem>>, vector<1x26x768xf32>
    %swap3A_130 = vector.shape_cast %swap3A_129 : vector<1x26x768xf32> to vector<26x768xf32>
    %swap3A_131 = vector.shape_cast %get3A_125 : vector<26x768xf32> to vector<1x26x768xf32>
    tpu.vector_store %arg5[%swap3A_126, %swap3A_127, %swap3A_128], %swap3A_131 {strides = array<i32>} : memref<64x26x768xf32, #tpu.memory_space<vmem>>, vector<1x26x768xf32>,
    %mul3A_132 = arith.constant 64 : i32
    %mul3A_133 = arith.muli %arg0, %mul3A_132 : i32
    %add3A_134 = arith.constant 8 : i32
    %add3A_135 = arith.addi %mul3A_133, %add3A_134 : i32
    %get3A_136 = arith.index_cast %add3A_135 : i32 to index
    %get3A_137 = memref.load %arg1[%get3A_136] : memref<1024xi32, #tpu.memory_space<smem>>
    %get3A_138 = arith.index_cast %get3A_137 : i32 to index
    %get3A_139 = arith.constant 24 : index
    %get3A_140 = arith.constant 0 : index
    %get3A_141 = vector.load %arg2[%get3A_138, %get3A_139, %get3A_140] : memref<8x50x768xf32, #tpu.memory_space<vmem>>, vector<1x26x768xf32>
    %get3A_142 = vector.shape_cast %get3A_141 : vector<1x26x768xf32> to vector<26x768xf32>
    %swap3A_143 = arith.constant 8 : index
    %swap3A_144 = arith.constant 0 : index
    %swap3A_145 = arith.constant 0 : index
    %swap3A_146 = vector.load %arg5[%swap3A_143, %swap3A_144, %swap3A_145] : memref<64x26x768xf32, #tpu.memory_space<vmem>>, vector<1x26x768xf32>
    %swap3A_147 = vector.shape_cast %swap3A_146 : vector<1x26x768xf32> to vector<26x768xf32>
    %swap3A_148 = vector.shape_cast %get3A_142 : vector<26x768xf32> to vector<1x26x768xf32>
    tpu.vector_store %arg5[%swap3A_143, %swap3A_144, %swap3A_145], %swap3A_148 {strides = array<i32>} : memref<64x26x768xf32, #tpu.memory_space<vmem>>, vector<1x26x768xf32>,
    %mul3A_149 = arith.constant 64 : i32
    %mul3A_150 = arith.muli %arg0, %mul3A_149 : i32
    %add3A_151 = arith.constant 9 : i32
    %add3A_152 = arith.addi %mul3A_150, %add3A_151 : i32
    %get3A_153 = arith.index_cast %add3A_152 : i32 to index
    %get3A_154 = memref.load %arg1[%get3A_153] : memref<1024xi32, #tpu.memory_space<smem>>
    %get3A_155 = arith.index_cast %get3A_154 : i32 to index
    %get3A_156 = arith.constant 24 : index
    %get3A_157 = arith.constant 0 : index
    %get3A_158 = vector.load %arg2[%get3A_155, %get3A_156, %get3A_157] : memref<8x50x768xf32, #tpu.memory_space<vmem>>, vector<1x26x768xf32>
    %get3A_159 = vector.shape_cast %get3A_158 : vector<1x26x768xf32> to vector<26x768xf32>
    %swap3A_160 = arith.constant 9 : index
    %swap3A_161 = arith.constant 0 : index
    %swap3A_162 = arith.constant 0 : index
    %swap3A_163 = vector.load %arg5[%swap3A_160, %swap3A_161, %swap3A_162] : memref<64x26x768xf32, #tpu.memory_space<vmem>>, vector<1x26x768xf32>
    %swap3A_164 = vector.shape_cast %swap3A_163 : vector<1x26x768xf32> to vector<26x768xf32>
    %swap3A_165 = vector.shape_cast %get3A_159 : vector<26x768xf32> to vector<1x26x768xf32>
    tpu.vector_store %arg5[%swap3A_160, %swap3A_161, %swap3A_162], %swap3A_165 {strides = array<i32>} : memref<64x26x768xf32, #tpu.memory_space<vmem>>, vector<1x26x768xf32>,
    %mul3A_166 = arith.constant 64 : i32
    %mul3A_167 = arith.muli %arg0, %mul3A_166 : i32
    %add3A_168 = arith.constant 10 : i32
    %add3A_169 = arith.addi %mul3A_167, %add3A_168 : i32
    %get3A_170 = arith.index_cast %add3A_169 : i32 to index
    %get3A_171 = memref.load %arg1[%get3A_170] : memref<1024xi32, #tpu.memory_space<smem>>
    %get3A_172 = arith.index_cast %get3A_171 : i32 to index
    %get3A_173 = arith.constant 24 : index
    %get3A_174 = arith.constant 0 : index
    %get3A_175 = vector.load %arg2[%get3A_172, %get3A_173, %get3A_174] : memref<8x50x768xf32, #tpu.memory_space<vmem>>, vector<1x26x768xf32>
    %get3A_176 = vector.shape_cast %get3A_175 : vector<1x26x768xf32> to vector<26x768xf32>
    %swap3A_177 = arith.constant 10 : index
    %swap3A_178 = arith.constant 0 : index
    %swap3A_179 = arith.constant 0 : index
    %swap3A_180 = vector.load %arg5[%swap3A_177, %swap3A_178, %swap3A_179] : memref<64x26x768xf32, #tpu.memory_space<vmem>>, vector<1x26x768xf32>
    %swap3A_181 = vector.shape_cast %swap3A_180 : vector<1x26x768xf32> to vector<26x768xf32>
    %swap3A_182 = vector.shape_cast %get3A_176 : vector<26x768xf32> to vector<1x26x768xf32>
    tpu.vector_store %arg5[%swap3A_177, %swap3A_178, %swap3A_179], %swap3A_182 {strides = array<i32>} : memref<64x26x768xf32, #tpu.memory_space<vmem>>, vector<1x26x768xf32>,
    %mul3A_183 = arith.constant 64 : i32
    %mul3A_184 = arith.muli %arg0, %mul3A_183 : i32
    %add3A_185 = arith.constant 11 : i32
    %add3A_186 = arith.addi %mul3A_184, %add3A_185 : i32
    %get3A_187 = arith.index_cast %add3A_186 : i32 to index
    %get3A_188 = memref.load %arg1[%get3A_187] : memref<1024xi32, #tpu.memory_space<smem>>
    %get3A_189 = arith.index_cast %get3A_188 : i32 to index
    %get3A_190 = arith.constant 24 : index
    %get3A_191 = arith.constant 0 : index
    %get3A_192 = vector.load %arg2[%get3A_189, %get3A_190, %get3A_191] : memref<8x50x768xf32, #tpu.memory_space<vmem>>, vector<1x26x768xf32>
    %get3A_193 = vector.shape_cast %get3A_192 : vector<1x26x768xf32> to vector<26x768xf32>
    %swap3A_194 = arith.constant 11 : index
    %swap3A_195 = arith.constant 0 : index
    %swap3A_196 = arith.constant 0 : index
    %swap3A_197 = vector.load %arg5[%swap3A_194, %swap3A_195, %swap3A_196] : memref<64x26x768xf32, #tpu.memory_space<vmem>>, vector<1x26x768xf32>
    %swap3A_198 = vector.shape_cast %swap3A_197 : vector<1x26x768xf32> to vector<26x768xf32>
    %swap3A_199 = vector.shape_cast %get3A_193 : vector<26x768xf32> to vector<1x26x768xf32>
    tpu.vector_store %arg5[%swap3A_194, %swap3A_195, %swap3A_196], %swap3A_199 {strides = array<i32>} : memref<64x26x768xf32, #tpu.memory_space<vmem>>, vector<1x26x768xf32>,
    %mul3A_200 = arith.constant 64 : i32
    %mul3A_201 = arith.muli %arg0, %mul3A_200 : i32
    %add3A_202 = arith.constant 12 : i32
    %add3A_203 = arith.addi %mul3A_201, %add3A_202 : i32
    %get3A_204 = arith.index_cast %add3A_203 : i32 to index
    %get3A_205 = memref.load %arg1[%get3A_204] : memref<1024xi32, #tpu.memory_space<smem>>
    %get3A_206 = arith.index_cast %get3A_205 : i32 to index
    %get3A_207 = arith.constant 24 : index
    %get3A_208 = arith.constant 0 : index
    %get3A_209 = vector.load %arg2[%get3A_206, %get3A_207, %get3A_208] : memref<8x50x768xf32, #tpu.memory_space<vmem>>, vector<1x26x768xf32>
    %get3A_210 = vector.shape_cast %get3A_209 : vector<1x26x768xf32> to vector<26x768xf32>
    %swap3A_211 = arith.constant 12 : index
    %swap3A_212 = arith.constant 0 : index
    %swap3A_213 = arith.constant 0 : index
    %swap3A_214 = vector.load %arg5[%swap3A_211, %swap3A_212, %swap3A_213] : memref<64x26x768xf32, #tpu.memory_space<vmem>>, vector<1x26x768xf32>
    %swap3A_215 = vector.shape_cast %swap3A_214 : vector<1x26x768xf32> to vector<26x768xf32>
    %swap3A_216 = vector.shape_cast %get3A_210 : vector<26x768xf32> to vector<1x26x768xf32>
    tpu.vector_store %arg5[%swap3A_211, %swap3A_212, %swap3A_213], %swap3A_216 {strides = array<i32>} : memref<64x26x768xf32, #tpu.memory_space<vmem>>, vector<1x26x768xf32>,
    %mul3A_217 = arith.constant 64 : i32
    %mul3A_218 = arith.muli %arg0, %mul3A_217 : i32
    %add3A_219 = arith.constant 13 : i32
    %add3A_220 = arith.addi %mul3A_218, %add3A_219 : i32
    %get3A_221 = arith.index_cast %add3A_220 : i32 to index
    %get3A_222 = memref.load %arg1[%get3A_221] : memref<1024xi32, #tpu.memory_space<smem>>
    %get3A_223 = arith.index_cast %get3A_222 : i32 to index
    %get3A_224 = arith.constant 24 : index
    %get3A_225 = arith.constant 0 : index
    %get3A_226 = vector.load %arg2[%get3A_223, %get3A_224, %get3A_225] : memref<8x50x768xf32, #tpu.memory_space<vmem>>, vector<1x26x768xf32>
    %get3A_227 = vector.shape_cast %get3A_226 : vector<1x26x768xf32> to vector<26x768xf32>
    %swap3A_228 = arith.constant 13 : index
    %swap3A_229 = arith.constant 0 : index
    %swap3A_230 = arith.constant 0 : index
    %swap3A_231 = vector.load %arg5[%swap3A_228, %swap3A_229, %swap3A_230] : memref<64x26x768xf32, #tpu.memory_space<vmem>>, vector<1x26x768xf32>
    %swap3A_232 = vector.shape_cast %swap3A_231 : vector<1x26x768xf32> to vector<26x768xf32>
    %swap3A_233 = vector.shape_cast %get3A_227 : vector<26x768xf32> to vector<1x26x768xf32>
    tpu.vector_store %arg5[%swap3A_228, %swap3A_229, %swap3A_230], %swap3A_233 {strides = array<i32>} : memref<64x26x768xf32, #tpu.memory_space<vmem>>, vector<1x26x768xf32>,
    %mul3A_234 = arith.constant 64 : i32
    %mul3A_235 = arith.muli %arg0, %mul3A_234 : i32
    %add3A_236 = arith.constant 14 : i32
    %add3A_237 = arith.addi %mul3A_235, %add3A_236 : i32
    %get3A_238 = arith.index_cast %add3A_237 : i32 to index
    %get3A_239 = memref.load %arg1[%get3A_238] : memref<1024xi32, #tpu.memory_space<smem>>
    %get3A_240 = arith.index_cast %get3A_239 : i32 to index
    %get3A_241 = arith.constant 24 : index
    %get3A_242 = arith.constant 0 : index
    %get3A_243 = vector.load %arg2[%get3A_240, %get3A_241, %get3A_242] : memref<8x50x768xf32, #tpu.memory_space<vmem>>, vector<1x26x768xf32>
    %get3A_244 = vector.shape_cast %get3A_243 : vector<1x26x768xf32> to vector<26x768xf32>
    %swap3A_245 = arith.constant 14 : index
    %swap3A_246 = arith.constant 0 : index
    %swap3A_247 = arith.constant 0 : index
    %swap3A_248 = vector.load %arg5[%swap3A_245, %swap3A_246, %swap3A_247] : memref<64x26x768xf32, #tpu.memory_space<vmem>>, vector<1x26x768xf32>
    %swap3A_249 = vector.shape_cast %swap3A_248 : vector<1x26x768xf32> to vector<26x768xf32>
    %swap3A_250 = vector.shape_cast %get3A_244 : vector<26x768xf32> to vector<1x26x768xf32>
    tpu.vector_store %arg5[%swap3A_245, %swap3A_246, %swap3A_247], %swap3A_250 {strides = array<i32>} : memref<64x26x768xf32, #tpu.memory_space<vmem>>, vector<1x26x768xf32>,
    %mul3A_251 = arith.constant 64 : i32
    %mul3A_252 = arith.muli %arg0, %mul3A_251 : i32
    %add3A_253 = arith.constant 15 : i32
    %add3A_254 = arith.addi %mul3A_252, %add3A_253 : i32
    %get3A_255 = arith.index_cast %add3A_254 : i32 to index
    %get3A_256 = memref.load %arg1[%get3A_255] : memref<1024xi32, #tpu.memory_space<smem>>
    %get3A_257 = arith.index_cast %get3A_256 : i32 to index
    %get3A_258 = arith.constant 24 : index
    %get3A_259 = arith.constant 0 : index
    %get3A_260 = vector.load %arg2[%get3A_257, %get3A_258, %get3A_259] : memref<8x50x768xf32, #tpu.memory_space<vmem>>, vector<1x26x768xf32>
    %get3A_261 = vector.shape_cast %get3A_260 : vector<1x26x768xf32> to vector<26x768xf32>
    %swap3A_262 = arith.constant 15 : index
    %swap3A_263 = arith.constant 0 : index
    %swap3A_264 = arith.constant 0 : index
    %swap3A_265 = vector.load %arg5[%swap3A_262, %swap3A_263, %swap3A_264] : memref<64x26x768xf32, #tpu.memory_space<vmem>>, vector<1x26x768xf32>
    %swap3A_266 = vector.shape_cast %swap3A_265 : vector<1x26x768xf32> to vector<26x768xf32>
    %swap3A_267 = vector.shape_cast %get3A_261 : vector<26x768xf32> to vector<1x26x768xf32>
    tpu.vector_store %arg5[%swap3A_262, %swap3A_263, %swap3A_264], %swap3A_267 {strides = array<i32>} : memref<64x26x768xf32, #tpu.memory_space<vmem>>, vector<1x26x768xf32>,
    %mul3A_268 = arith.constant 64 : i32
    %mul3A_269 = arith.muli %arg0, %mul3A_268 : i32
    %add3A_270 = arith.constant 16 : i32
    %add3A_271 = arith.addi %mul3A_269, %add3A_270 : i32
    %get3A_272 = arith.index_cast %add3A_271 : i32 to index
    %get3A_273 = memref.load %arg1[%get3A_272] : memref<1024xi32, #tpu.memory_space<smem>>
    %get3A_274 = arith.index_cast %get3A_273 : i32 to index
    %get3A_275 = arith.constant 24 : index
    %get3A_276 = arith.constant 0 : index
    %get3A_277 = vector.load %arg2[%get3A_274, %get3A_275, %get3A_276] : memref<8x50x768xf32, #tpu.memory_space<vmem>>, vector<1x26x768xf32>
    %get3A_278 = vector.shape_cast %get3A_277 : vector<1x26x768xf32> to vector<26x768xf32>
    %swap3A_279 = arith.constant 16 : index
    %swap3A_280 = arith.constant 0 : index
    %swap3A_281 = arith.constant 0 : index
    %swap3A_282 = vector.load %arg5[%swap3A_279, %swap3A_280, %swap3A_281] : memref<64x26x768xf32, #tpu.memory_space<vmem>>, vector<1x26x768xf32>
    %swap3A_283 = vector.shape_cast %swap3A_282 : vector<1x26x768xf32> to vector<26x768xf32>
    %swap3A_284 = vector.shape_cast %get3A_278 : vector<26x768xf32> to vector<1x26x768xf32>
    tpu.vector_store %arg5[%swap3A_279, %swap3A_280, %swap3A_281], %swap3A_284 {strides = array<i32>} : memref<64x26x768xf32, #tpu.memory_space<vmem>>, vector<1x26x768xf32>,
    %mul3A_285 = arith.constant 64 : i32
    %mul3A_286 = arith.muli %arg0, %mul3A_285 : i32
    %add3A_287 = arith.constant 17 : i32
    %add3A_288 = arith.addi %mul3A_286, %add3A_287 : i32
    %get3A_289 = arith.index_cast %add3A_288 : i32 to index
    %get3A_290 = memref.load %arg1[%get3A_289] : memref<1024xi32, #tpu.memory_space<smem>>
    %get3A_291 = arith.index_cast %get3A_290 : i32 to index
    %get3A_292 = arith.constant 24 : index
    %get3A_293 = arith.constant 0 : index
    %get3A_294 = vector.load %arg2[%get3A_291, %get3A_292, %get3A_293] : memref<8x50x768xf32, #tpu.memory_space<vmem>>, vector<1x26x768xf32>
    %get3A_295 = vector.shape_cast %get3A_294 : vector<1x26x768xf32> to vector<26x768xf32>
    %swap3A_296 = arith.constant 17 : index
    %swap3A_297 = arith.constant 0 : index
    %swap3A_298 = arith.constant 0 : index
    %swap3A_299 = vector.load %arg5[%swap3A_296, %swap3A_297, %swap3A_298] : memref<64x26x768xf32, #tpu.memory_space<vmem>>, vector<1x26x768xf32>
    %swap3A_300 = vector.shape_cast %swap3A_299 : vector<1x26x768xf32> to vector<26x768xf32>
    %swap3A_301 = vector.shape_cast %get3A_295 : vector<26x768xf32> to vector<1x26x768xf32>
    tpu.vector_store %arg5[%swap3A_296, %swap3A_297, %swap3A_298], %swap3A_301 {strides = array<i32>} : memref<64x26x768xf32, #tpu.memory_space<vmem>>, vector<1x26x768xf32>,
    %mul3A_302 = arith.constant 64 : i32
    %mul3A_303 = arith.muli %arg0, %mul3A_302 : i32
    %add3A_304 = arith.constant 18 : i32
    %add3A_305 = arith.addi %mul3A_303, %add3A_304 : i32
    %get3A_306 = arith.index_cast %add3A_305 : i32 to index
    %get3A_307 = memref.load %arg1[%get3A_306] : memref<1024xi32, #tpu.memory_space<smem>>
    %get3A_308 = arith.index_cast %get3A_307 : i32 to index
    %get3A_309 = arith.constant 24 : index
    %get3A_310 = arith.constant 0 : index
    %get3A_311 = vector.load %arg2[%get3A_308, %get3A_309, %get3A_310] : memref<8x50x768xf32, #tpu.memory_space<vmem>>, vector<1x26x768xf32>
    %get3A_312 = vector.shape_cast %get3A_311 : vector<1x26x768xf32> to vector<26x768xf32>
    %swap3A_313 = arith.constant 18 : index
    %swap3A_314 = arith.constant 0 : index
    %swap3A_315 = arith.constant 0 : index
    %swap3A_316 = vector.load %arg5[%swap3A_313, %swap3A_314, %swap3A_315] : memref<64x26x768xf32, #tpu.memory_space<vmem>>, vector<1x26x768xf32>
    %swap3A_317 = vector.shape_cast %swap3A_316 : vector<1x26x768xf32> to vector<26x768xf32>
    %swap3A_318 = vector.shape_cast %get3A_312 : vector<26x768xf32> to vector<1x26x768xf32>
    tpu.vector_store %arg5[%swap3A_313, %swap3A_314, %swap3A_315], %swap3A_318 {strides = array<i32>} : memref<64x26x768xf32, #tpu.memory_space<vmem>>, vector<1x26x768xf32>,
    %mul3A_319 = arith.constant 64 : i32
    %mul3A_320 = arith.muli %arg0, %mul3A_319 : i32
    %add3A_321 = arith.constant 19 : i32
    %add3A_322 = arith.addi %mul3A_320, %add3A_321 : i32
    %get3A_323 = arith.index_cast %add3A_322 : i32 to index
    %get3A_324 = memref.load %arg1[%get3A_323] : memref<1024xi32, #tpu.memory_space<smem>>
    %get3A_325 = arith.index_cast %get3A_324 : i32 to index
    %get3A_326 = arith.constant 24 : index
    %get3A_327 = arith.constant 0 : index
    %get3A_328 = vector.load %arg2[%get3A_325, %get3A_326, %get3A_327] : memref<8x50x768xf32, #tpu.memory_space<vmem>>, vector<1x26x768xf32>
    %get3A_329 = vector.shape_cast %get3A_328 : vector<1x26x768xf32> to vector<26x768xf32>
    %swap3A_330 = arith.constant 19 : index
    %swap3A_331 = arith.constant 0 : index
    %swap3A_332 = arith.constant 0 : index
    %swap3A_333 = vector.load %arg5[%swap3A_330, %swap3A_331, %swap3A_332] : memref<64x26x768xf32, #tpu.memory_space<vmem>>, vector<1x26x768xf32>
    %swap3A_334 = vector.shape_cast %swap3A_333 : vector<1x26x768xf32> to vector<26x768xf32>
    %swap3A_335 = vector.shape_cast %get3A_329 : vector<26x768xf32> to vector<1x26x768xf32>
    tpu.vector_store %arg5[%swap3A_330, %swap3A_331, %swap3A_332], %swap3A_335 {strides = array<i32>} : memref<64x26x768xf32, #tpu.memory_space<vmem>>, vector<1x26x768xf32>,
    %mul3A_336 = arith.constant 64 : i32
    %mul3A_337 = arith.muli %arg0, %mul3A_336 : i32
    %add3A_338 = arith.constant 20 : i32
    %add3A_339 = arith.addi %mul3A_337, %add3A_338 : i32
    %get3A_340 = arith.index_cast %add3A_339 : i32 to index
    %get3A_341 = memref.load %arg1[%get3A_340] : memref<1024xi32, #tpu.memory_space<smem>>
    %get3A_342 = arith.index_cast %get3A_341 : i32 to index
    %get3A_343 = arith.constant 24 : index
    %get3A_344 = arith.constant 0 : index
    %get3A_345 = vector.load %arg2[%get3A_342, %get3A_343, %get3A_344] : memref<8x50x768xf32, #tpu.memory_space<vmem>>, vector<1x26x768xf32>
    %get3A_346 = vector.shape_cast %get3A_345 : vector<1x26x768xf32> to vector<26x768xf32>
    %swap3A_347 = arith.constant 20 : index
    %swap3A_348 = arith.constant 0 : index
    %swap3A_349 = arith.constant 0 : index
    %swap3A_350 = vector.load %arg5[%swap3A_347, %swap3A_348, %swap3A_349] : memref<64x26x768xf32, #tpu.memory_space<vmem>>, vector<1x26x768xf32>
    %swap3A_351 = vector.shape_cast %swap3A_350 : vector<1x26x768xf32> to vector<26x768xf32>
    %swap3A_352 = vector.shape_cast %get3A_346 : vector<26x768xf32> to vector<1x26x768xf32>
    tpu.vector_store %arg5[%swap3A_347, %swap3A_348, %swap3A_349], %swap3A_352 {strides = array<i32>} : memref<64x26x768xf32, #tpu.memory_space<vmem>>, vector<1x26x768xf32>,
    %mul3A_353 = arith.constant 64 : i32
    %mul3A_354 = arith.muli %arg0, %mul3A_353 : i32
    %add3A_355 = arith.constant 21 : i32
    %add3A_356 = arith.addi %mul3A_354, %add3A_355 : i32
    %get3A_357 = arith.index_cast %add3A_356 : i32 to index
    %get3A_358 = memref.load %arg1[%get3A_357] : memref<1024xi32, #tpu.memory_space<smem>>
    %get3A_359 = arith.index_cast %get3A_358 : i32 to index
    %get3A_360 = arith.constant 24 : index
    %get3A_361 = arith.constant 0 : index
    %get3A_362 = vector.load %arg2[%get3A_359, %get3A_360, %get3A_361] : memref<8x50x768xf32, #tpu.memory_space<vmem>>, vector<1x26x768xf32>
    %get3A_363 = vector.shape_cast %get3A_362 : vector<1x26x768xf32> to vector<26x768xf32>
    %swap3A_364 = arith.constant 21 : index
    %swap3A_365 = arith.constant 0 : index
    %swap3A_366 = arith.constant 0 : index
    %swap3A_367 = vector.load %arg5[%swap3A_364, %swap3A_365, %swap3A_366] : memref<64x26x768xf32, #tpu.memory_space<vmem>>, vector<1x26x768xf32>
    %swap3A_368 = vector.shape_cast %swap3A_367 : vector<1x26x768xf32> to vector<26x768xf32>
    %swap3A_369 = vector.shape_cast %get3A_363 : vector<26x768xf32> to vector<1x26x768xf32>
    tpu.vector_store %arg5[%swap3A_364, %swap3A_365, %swap3A_366], %swap3A_369 {strides = array<i32>} : memref<64x26x768xf32, #tpu.memory_space<vmem>>, vector<1x26x768xf32>,
    %mul3A_370 = arith.constant 64 : i32
    %mul3A_371 = arith.muli %arg0, %mul3A_370 : i32
    %add3A_372 = arith.constant 22 : i32
    %add3A_373 = arith.addi %mul3A_371, %add3A_372 : i32
    %get3A_374 = arith.index_cast %add3A_373 : i32 to index
    %get3A_375 = memref.load %arg1[%get3A_374] : memref<1024xi32, #tpu.memory_space<smem>>
    %get3A_376 = arith.index_cast %get3A_375 : i32 to index
    %get3A_377 = arith.constant 24 : index
    %get3A_378 = arith.constant 0 : index
    %get3A_379 = vector.load %arg2[%get3A_376, %get3A_377, %get3A_378] : memref<8x50x768xf32, #tpu.memory_space<vmem>>, vector<1x26x768xf32>
    %get3A_380 = vector.shape_cast %get3A_379 : vector<1x26x768xf32> to vector<26x768xf32>
    %swap3A_381 = arith.constant 22 : index
    %swap3A_382 = arith.constant 0 : index
    %swap3A_383 = arith.constant 0 : index
    %swap3A_384 = vector.load %arg5[%swap3A_381, %swap3A_382, %swap3A_383] : memref<64x26x768xf32, #tpu.memory_space<vmem>>, vector<1x26x768xf32>
    %swap3A_385 = vector.shape_cast %swap3A_384 : vector<1x26x768xf32> to vector<26x768xf32>
    %swap3A_386 = vector.shape_cast %get3A_380 : vector<26x768xf32> to vector<1x26x768xf32>
    tpu.vector_store %arg5[%swap3A_381, %swap3A_382, %swap3A_383], %swap3A_386 {strides = array<i32>} : memref<64x26x768xf32, #tpu.memory_space<vmem>>, vector<1x26x768xf32>,
    %mul3A_387 = arith.constant 64 : i32
    %mul3A_388 = arith.muli %arg0, %mul3A_387 : i32
    %add3A_389 = arith.constant 23 : i32
    %add3A_390 = arith.addi %mul3A_388, %add3A_389 : i32
    %get3A_391 = arith.index_cast %add3A_390 : i32 to index
    %get3A_392 = memref.load %arg1[%get3A_391] : memref<1024xi32, #tpu.memory_space<smem>>
    %get3A_393 = arith.index_cast %get3A_392 : i32 to index
    %get3A_394 = arith.constant 24 : index
    %get3A_395 = arith.constant 0 : index
    %get3A_396 = vector.load %arg2[%get3A_393, %get3A_394, %get3A_395] : memref<8x50x768xf32, #tpu.memory_space<vmem>>, vector<1x26x768xf32>
    %get3A_397 = vector.shape_cast %get3A_396 : vector<1x26x768xf32> to vector<26x768xf32>
    %swap3A_398 = arith.constant 23 : index
    %swap3A_399 = arith.constant 0 : index
    %swap3A_400 = arith.constant 0 : index
    %swap3A_401 = vector.load %arg5[%swap3A_398, %swap3A_399, %swap3A_400] : memref<64x26x768xf32, #tpu.memory_space<vmem>>, vector<1x26x768xf32>
    %swap3A_402 = vector.shape_cast %swap3A_401 : vector<1x26x768xf32> to vector<26x768xf32>
    %swap3A_403 = vector.shape_cast %get3A_397 : vector<26x768xf32> to vector<1x26x768xf32>
    tpu.vector_store %arg5[%swap3A_398, %swap3A_399, %swap3A_400], %swap3A_403 {strides = array<i32>} : memref<64x26x768xf32, #tpu.memory_space<vmem>>, vector<1x26x768xf32>,
    %mul3A_404 = arith.constant 64 : i32
    %mul3A_405 = arith.muli %arg0, %mul3A_404 : i32
    %add3A_406 = arith.constant 24 : i32
    %add3A_407 = arith.addi %mul3A_405, %add3A_406 : i32
    %get3A_408 = arith.index_cast %add3A_407 : i32 to index
    %get3A_409 = memref.load %arg1[%get3A_408] : memref<1024xi32, #tpu.memory_space<smem>>
    %get3A_410 = arith.index_cast %get3A_409 : i32 to index
    %get3A_411 = arith.constant 24 : index
    %get3A_412 = arith.constant 0 : index
    %get3A_413 = vector.load %arg2[%get3A_410, %get3A_411, %get3A_412] : memref<8x50x768xf32, #tpu.memory_space<vmem>>, vector<1x26x768xf32>
    %get3A_414 = vector.shape_cast %get3A_413 : vector<1x26x768xf32> to vector<26x768xf32>
    %swap3A_415 = arith.constant 24 : index
    %swap3A_416 = arith.constant 0 : index
    %swap3A_417 = arith.constant 0 : index
    %swap3A_418 = vector.load %arg5[%swap3A_415, %swap3A_416, %swap3A_417] : memref<64x26x768xf32, #tpu.memory_space<vmem>>, vector<1x26x768xf32>
    %swap3A_419 = vector.shape_cast %swap3A_418 : vector<1x26x768xf32> to vector<26x768xf32>
    %swap3A_420 = vector.shape_cast %get3A_414 : vector<26x768xf32> to vector<1x26x768xf32>
    tpu.vector_store %arg5[%swap3A_415, %swap3A_416, %swap3A_417], %swap3A_420 {strides = array<i32>} : memref<64x26x768xf32, #tpu.memory_space<vmem>>, vector<1x26x768xf32>,
    %mul3A_421 = arith.constant 64 : i32
    %mul3A_422 = arith.muli %arg0, %mul3A_421 : i32
    %add3A_423 = arith.constant 25 : i32
    %add3A_424 = arith.addi %mul3A_422, %add3A_423 : i32
    %get3A_425 = arith.index_cast %add3A_424 : i32 to index
    %get3A_426 = memref.load %arg1[%get3A_425] : memref<1024xi32, #tpu.memory_space<smem>>
    %get3A_427 = arith.index_cast %get3A_426 : i32 to index
    %get3A_428 = arith.constant 24 : index
    %get3A_429 = arith.constant 0 : index
    %get3A_430 = vector.load %arg2[%get3A_427, %get3A_428, %get3A_429] : memref<8x50x768xf32, #tpu.memory_space<vmem>>, vector<1x26x768xf32>
    %get3A_431 = vector.shape_cast %get3A_430 : vector<1x26x768xf32> to vector<26x768xf32>
    %swap3A_432 = arith.constant 25 : index
    %swap3A_433 = arith.constant 0 : index
    %swap3A_434 = arith.constant 0 : index
    %swap3A_435 = vector.load %arg5[%swap3A_432, %swap3A_433, %swap3A_434] : memref<64x26x768xf32, #tpu.memory_space<vmem>>, vector<1x26x768xf32>
    %swap3A_436 = vector.shape_cast %swap3A_435 : vector<1x26x768xf32> to vector<26x768xf32>
    %swap3A_437 = vector.shape_cast %get3A_431 : vector<26x768xf32> to vector<1x26x768xf32>
    tpu.vector_store %arg5[%swap3A_432, %swap3A_433, %swap3A_434], %swap3A_437 {strides = array<i32>} : memref<64x26x768xf32, #tpu.memory_space<vmem>>, vector<1x26x768xf32>,
    %mul3A_438 = arith.constant 64 : i32
    %mul3A_439 = arith.muli %arg0, %mul3A_438 : i32
    %add3A_440 = arith.constant 26 : i32
    %add3A_441 = arith.addi %mul3A_439, %add3A_440 : i32
    %get3A_442 = arith.index_cast %add3A_441 : i32 to index
    %get3A_443 = memref.load %arg1[%get3A_442] : memref<1024xi32, #tpu.memory_space<smem>>
    %get3A_444 = arith.index_cast %get3A_443 : i32 to index
    %get3A_445 = arith.constant 24 : index
    %get3A_446 = arith.constant 0 : index
    %get3A_447 = vector.load %arg2[%get3A_444, %get3A_445, %get3A_446] : memref<8x50x768xf32, #tpu.memory_space<vmem>>, vector<1x26x768xf32>
    %get3A_448 = vector.shape_cast %get3A_447 : vector<1x26x768xf32> to vector<26x768xf32>
    %swap3A_449 = arith.constant 26 : index
    %swap3A_450 = arith.constant 0 : index
    %swap3A_451 = arith.constant 0 : index
    %swap3A_452 = vector.load %arg5[%swap3A_449, %swap3A_450, %swap3A_451] : memref<64x26x768xf32, #tpu.memory_space<vmem>>, vector<1x26x768xf32>
    %swap3A_453 = vector.shape_cast %swap3A_452 : vector<1x26x768xf32> to vector<26x768xf32>
    %swap3A_454 = vector.shape_cast %get3A_448 : vector<26x768xf32> to vector<1x26x768xf32>
    tpu.vector_store %arg5[%swap3A_449, %swap3A_450, %swap3A_451], %swap3A_454 {strides = array<i32>} : memref<64x26x768xf32, #tpu.memory_space<vmem>>, vector<1x26x768xf32>,
    %mul3A_455 = arith.constant 64 : i32
    %mul3A_456 = arith.muli %arg0, %mul3A_455 : i32
    %add3A_457 = arith.constant 27 : i32
    %add3A_458 = arith.addi %mul3A_456, %add3A_457 : i32
    %get3A_459 = arith.index_cast %add3A_458 : i32 to index
    %get3A_460 = memref.load %arg1[%get3A_459] : memref<1024xi32, #tpu.memory_space<smem>>
    %get3A_461 = arith.index_cast %get3A_460 : i32 to index
    %get3A_462 = arith.constant 24 : index
    %get3A_463 = arith.constant 0 : index
    %get3A_464 = vector.load %arg2[%get3A_461, %get3A_462, %get3A_463] : memref<8x50x768xf32, #tpu.memory_space<vmem>>, vector<1x26x768xf32>
    %get3A_465 = vector.shape_cast %get3A_464 : vector<1x26x768xf32> to vector<26x768xf32>
    %swap3A_466 = arith.constant 27 : index
    %swap3A_467 = arith.constant 0 : index
    %swap3A_468 = arith.constant 0 : index
    %swap3A_469 = vector.load %arg5[%swap3A_466, %swap3A_467, %swap3A_468] : memref<64x26x768xf32, #tpu.memory_space<vmem>>, vector<1x26x768xf32>
    %swap3A_470 = vector.shape_cast %swap3A_469 : vector<1x26x768xf32> to vector<26x768xf32>
    %swap3A_471 = vector.shape_cast %get3A_465 : vector<26x768xf32> to vector<1x26x768xf32>
    tpu.vector_store %arg5[%swap3A_466, %swap3A_467, %swap3A_468], %swap3A_471 {strides = array<i32>} : memref<64x26x768xf32, #tpu.memory_space<vmem>>, vector<1x26x768xf32>,
    %mul3A_472 = arith.constant 64 : i32
    %mul3A_473 = arith.muli %arg0, %mul3A_472 : i32
    %add3A_474 = arith.constant 28 : i32
    %add3A_475 = arith.addi %mul3A_473, %add3A_474 : i32
    %get3A_476 = arith.index_cast %add3A_475 : i32 to index
    %get3A_477 = memref.load %arg1[%get3A_476] : memref<1024xi32, #tpu.memory_space<smem>>
    %get3A_478 = arith.index_cast %get3A_477 : i32 to index
    %get3A_479 = arith.constant 24 : index
    %get3A_480 = arith.constant 0 : index
    %get3A_481 = vector.load %arg2[%get3A_478, %get3A_479, %get3A_480] : memref<8x50x768xf32, #tpu.memory_space<vmem>>, vector<1x26x768xf32>
    %get3A_482 = vector.shape_cast %get3A_481 : vector<1x26x768xf32> to vector<26x768xf32>
    %swap3A_483 = arith.constant 28 : index
    %swap3A_484 = arith.constant 0 : index
    %swap3A_485 = arith.constant 0 : index
    %swap3A_486 = vector.load %arg5[%swap3A_483, %swap3A_484, %swap3A_485] : memref<64x26x768xf32, #tpu.memory_space<vmem>>, vector<1x26x768xf32>
    %swap3A_487 = vector.shape_cast %swap3A_486 : vector<1x26x768xf32> to vector<26x768xf32>
    %swap3A_488 = vector.shape_cast %get3A_482 : vector<26x768xf32> to vector<1x26x768xf32>
    tpu.vector_store %arg5[%swap3A_483, %swap3A_484, %swap3A_485], %swap3A_488 {strides = array<i32>} : memref<64x26x768xf32, #tpu.memory_space<vmem>>, vector<1x26x768xf32>,
    %mul3A_489 = arith.constant 64 : i32
    %mul3A_490 = arith.muli %arg0, %mul3A_489 : i32
    %add3A_491 = arith.constant 29 : i32
    %add3A_492 = arith.addi %mul3A_490, %add3A_491 : i32
    %get3A_493 = arith.index_cast %add3A_492 : i32 to index
    %get3A_494 = memref.load %arg1[%get3A_493] : memref<1024xi32, #tpu.memory_space<smem>>
    %get3A_495 = arith.index_cast %get3A_494 : i32 to index
    %get3A_496 = arith.constant 24 : index
    %get3A_497 = arith.constant 0 : index
    %get3A_498 = vector.load %arg2[%get3A_495, %get3A_496, %get3A_497] : memref<8x50x768xf32, #tpu.memory_space<vmem>>, vector<1x26x768xf32>
    %get3A_499 = vector.shape_cast %get3A_498 : vector<1x26x768xf32> to vector<26x768xf32>
    %swap3A_500 = arith.constant 29 : index
    %swap3A_501 = arith.constant 0 : index
    %swap3A_502 = arith.constant 0 : index
    %swap3A_503 = vector.load %arg5[%swap3A_500, %swap3A_501, %swap3A_502] : memref<64x26x768xf32, #tpu.memory_space<vmem>>, vector<1x26x768xf32>
    %swap3A_504 = vector.shape_cast %swap3A_503 : vector<1x26x768xf32> to vector<26x768xf32>
    %swap3A_505 = vector.shape_cast %get3A_499 : vector<26x768xf32> to vector<1x26x768xf32>
    tpu.vector_store %arg5[%swap3A_500, %swap3A_501, %swap3A_502], %swap3A_505 {strides = array<i32>} : memref<64x26x768xf32, #tpu.memory_space<vmem>>, vector<1x26x768xf32>,
    %mul3A_506 = arith.constant 64 : i32
    %mul3A_507 = arith.muli %arg0, %mul3A_506 : i32
    %add3A_508 = arith.constant 30 : i32
    %add3A_509 = arith.addi %mul3A_507, %add3A_508 : i32
    %get3A_510 = arith.index_cast %add3A_509 : i32 to index
    %get3A_511 = memref.load %arg1[%get3A_510] : memref<1024xi32, #tpu.memory_space<smem>>
    %get3A_512 = arith.index_cast %get3A_511 : i32 to index
    %get3A_513 = arith.constant 24 : index
    %get3A_514 = arith.constant 0 : index
    %get3A_515 = vector.load %arg2[%get3A_512, %get3A_513, %get3A_514] : memref<8x50x768xf32, #tpu.memory_space<vmem>>, vector<1x26x768xf32>
    %get3A_516 = vector.shape_cast %get3A_515 : vector<1x26x768xf32> to vector<26x768xf32>
    %swap3A_517 = arith.constant 30 : index
    %swap3A_518 = arith.constant 0 : index
    %swap3A_519 = arith.constant 0 : index
    %swap3A_520 = vector.load %arg5[%swap3A_517, %swap3A_518, %swap3A_519] : memref<64x26x768xf32, #tpu.memory_space<vmem>>, vector<1x26x768xf32>
    %swap3A_521 = vector.shape_cast %swap3A_520 : vector<1x26x768xf32> to vector<26x768xf32>
    %swap3A_522 = vector.shape_cast %get3A_516 : vector<26x768xf32> to vector<1x26x768xf32>
    tpu.vector_store %arg5[%swap3A_517, %swap3A_518, %swap3A_519], %swap3A_522 {strides = array<i32>} : memref<64x26x768xf32, #tpu.memory_space<vmem>>, vector<1x26x768xf32>,
    %mul3A_523 = arith.constant 64 : i32
    %mul3A_524 = arith.muli %arg0, %mul3A_523 : i32
    %add3A_525 = arith.constant 31 : i32
    %add3A_526 = arith.addi %mul3A_524, %add3A_525 : i32
    %get3A_527 = arith.index_cast %add3A_526 : i32 to index
    %get3A_528 = memref.load %arg1[%get3A_527] : memref<1024xi32, #tpu.memory_space<smem>>
    %get3A_529 = arith.index_cast %get3A_528 : i32 to index
    %get3A_530 = arith.constant 24 : index
    %get3A_531 = arith.constant 0 : index
    %get3A_532 = vector.load %arg2[%get3A_529, %get3A_530, %get3A_531] : memref<8x50x768xf32, #tpu.memory_space<vmem>>, vector<1x26x768xf32>
    %get3A_533 = vector.shape_cast %get3A_532 : vector<1x26x768xf32> to vector<26x768xf32>
    %swap3A_534 = arith.constant 31 : index
    %swap3A_535 = arith.constant 0 : index
    %swap3A_536 = arith.constant 0 : index
    %swap3A_537 = vector.load %arg5[%swap3A_534, %swap3A_535, %swap3A_536] : memref<64x26x768xf32, #tpu.memory_space<vmem>>, vector<1x26x768xf32>
    %swap3A_538 = vector.shape_cast %swap3A_537 : vector<1x26x768xf32> to vector<26x768xf32>
    %swap3A_539 = vector.shape_cast %get3A_533 : vector<26x768xf32> to vector<1x26x768xf32>
    tpu.vector_store %arg5[%swap3A_534, %swap3A_535, %swap3A_536], %swap3A_539 {strides = array<i32>} : memref<64x26x768xf32, #tpu.memory_space<vmem>>, vector<1x26x768xf32>,
    %mul3A_540 = arith.constant 64 : i32
    %mul3A_541 = arith.muli %arg0, %mul3A_540 : i32
    %add3A_542 = arith.constant 32 : i32
    %add3A_543 = arith.addi %mul3A_541, %add3A_542 : i32
    %get3A_544 = arith.index_cast %add3A_543 : i32 to index
    %get3A_545 = memref.load %arg1[%get3A_544] : memref<1024xi32, #tpu.memory_space<smem>>
    %get3A_546 = arith.index_cast %get3A_545 : i32 to index
    %get3A_547 = arith.constant 24 : index
    %get3A_548 = arith.constant 0 : index
    %get3A_549 = vector.load %arg2[%get3A_546, %get3A_547, %get3A_548] : memref<8x50x768xf32, #tpu.memory_space<vmem>>, vector<1x26x768xf32>
    %get3A_550 = vector.shape_cast %get3A_549 : vector<1x26x768xf32> to vector<26x768xf32>
    %swap3A_551 = arith.constant 32 : index
    %swap3A_552 = arith.constant 0 : index
    %swap3A_553 = arith.constant 0 : index
    %swap3A_554 = vector.load %arg5[%swap3A_551, %swap3A_552, %swap3A_553] : memref<64x26x768xf32, #tpu.memory_space<vmem>>, vector<1x26x768xf32>
    %swap3A_555 = vector.shape_cast %swap3A_554 : vector<1x26x768xf32> to vector<26x768xf32>
    %swap3A_556 = vector.shape_cast %get3A_550 : vector<26x768xf32> to vector<1x26x768xf32>
    tpu.vector_store %arg5[%swap3A_551, %swap3A_552, %swap3A_553], %swap3A_556 {strides = array<i32>} : memref<64x26x768xf32, #tpu.memory_space<vmem>>, vector<1x26x768xf32>,
    %mul3A_557 = arith.constant 64 : i32
    %mul3A_558 = arith.muli %arg0, %mul3A_557 : i32
    %add3A_559 = arith.constant 33 : i32
    %add3A_560 = arith.addi %mul3A_558, %add3A_559 : i32
    %get3A_561 = arith.index_cast %add3A_560 : i32 to index
    %get3A_562 = memref.load %arg1[%get3A_561] : memref<1024xi32, #tpu.memory_space<smem>>
    %get3A_563 = arith.index_cast %get3A_562 : i32 to index
    %get3A_564 = arith.constant 24 : index
    %get3A_565 = arith.constant 0 : index
    %get3A_566 = vector.load %arg2[%get3A_563, %get3A_564, %get3A_565] : memref<8x50x768xf32, #tpu.memory_space<vmem>>, vector<1x26x768xf32>
    %get3A_567 = vector.shape_cast %get3A_566 : vector<1x26x768xf32> to vector<26x768xf32>
    %swap3A_568 = arith.constant 33 : index
    %swap3A_569 = arith.constant 0 : index
    %swap3A_570 = arith.constant 0 : index
    %swap3A_571 = vector.load %arg5[%swap3A_568, %swap3A_569, %swap3A_570] : memref<64x26x768xf32, #tpu.memory_space<vmem>>, vector<1x26x768xf32>
    %swap3A_572 = vector.shape_cast %swap3A_571 : vector<1x26x768xf32> to vector<26x768xf32>
    %swap3A_573 = vector.shape_cast %get3A_567 : vector<26x768xf32> to vector<1x26x768xf32>
    tpu.vector_store %arg5[%swap3A_568, %swap3A_569, %swap3A_570], %swap3A_573 {strides = array<i32>} : memref<64x26x768xf32, #tpu.memory_space<vmem>>, vector<1x26x768xf32>,
    %mul3A_574 = arith.constant 64 : i32
    %mul3A_575 = arith.muli %arg0, %mul3A_574 : i32
    %add3A_576 = arith.constant 34 : i32
    %add3A_577 = arith.addi %mul3A_575, %add3A_576 : i32
    %get3A_578 = arith.index_cast %add3A_577 : i32 to index
    %get3A_579 = memref.load %arg1[%get3A_578] : memref<1024xi32, #tpu.memory_space<smem>>
    %get3A_580 = arith.index_cast %get3A_579 : i32 to index
    %get3A_581 = arith.constant 24 : index
    %get3A_582 = arith.constant 0 : index
    %get3A_583 = vector.load %arg2[%get3A_580, %get3A_581, %get3A_582] : memref<8x50x768xf32, #tpu.memory_space<vmem>>, vector<1x26x768xf32>
    %get3A_584 = vector.shape_cast %get3A_583 : vector<1x26x768xf32> to vector<26x768xf32>
    %swap3A_585 = arith.constant 34 : index
    %swap3A_586 = arith.constant 0 : index
    %swap3A_587 = arith.constant 0 : index
    %swap3A_588 = vector.load %arg5[%swap3A_585, %swap3A_586, %swap3A_587] : memref<64x26x768xf32, #tpu.memory_space<vmem>>, vector<1x26x768xf32>
    %swap3A_589 = vector.shape_cast %swap3A_588 : vector<1x26x768xf32> to vector<26x768xf32>
    %swap3A_590 = vector.shape_cast %get3A_584 : vector<26x768xf32> to vector<1x26x768xf32>
    tpu.vector_store %arg5[%swap3A_585, %swap3A_586, %swap3A_587], %swap3A_590 {strides = array<i32>} : memref<64x26x768xf32, #tpu.memory_space<vmem>>, vector<1x26x768xf32>,
    %mul3A_591 = arith.constant 64 : i32
    %mul3A_592 = arith.muli %arg0, %mul3A_591 : i32
    %add3A_593 = arith.constant 35 : i32
    %add3A_594 = arith.addi %mul3A_592, %add3A_593 : i32
    %get3A_595 = arith.index_cast %add3A_594 : i32 to index
    %get3A_596 = memref.load %arg1[%get3A_595] : memref<1024xi32, #tpu.memory_space<smem>>
    %get3A_597 = arith.index_cast %get3A_596 : i32 to index
    %get3A_598 = arith.constant 24 : index
    %get3A_599 = arith.constant 0 : index
    %get3A_600 = vector.load %arg2[%get3A_597, %get3A_598, %get3A_599] : memref<8x50x768xf32, #tpu.memory_space<vmem>>, vector<1x26x768xf32>
    %get3A_601 = vector.shape_cast %get3A_600 : vector<1x26x768xf32> to vector<26x768xf32>
    %swap3A_602 = arith.constant 35 : index
    %swap3A_603 = arith.constant 0 : index
    %swap3A_604 = arith.constant 0 : index
    %swap3A_605 = vector.load %arg5[%swap3A_602, %swap3A_603, %swap3A_604] : memref<64x26x768xf32, #tpu.memory_space<vmem>>, vector<1x26x768xf32>
    %swap3A_606 = vector.shape_cast %swap3A_605 : vector<1x26x768xf32> to vector<26x768xf32>
    %swap3A_607 = vector.shape_cast %get3A_601 : vector<26x768xf32> to vector<1x26x768xf32>
    tpu.vector_store %arg5[%swap3A_602, %swap3A_603, %swap3A_604], %swap3A_607 {strides = array<i32>} : memref<64x26x768xf32, #tpu.memory_space<vmem>>, vector<1x26x768xf32>,
    %mul3A_608 = arith.constant 64 : i32
    %mul3A_609 = arith.muli %arg0, %mul3A_608 : i32
    %add3A_610 = arith.constant 36 : i32
    %add3A_611 = arith.addi %mul3A_609, %add3A_610 : i32
    %get3A_612 = arith.index_cast %add3A_611 : i32 to index
    %get3A_613 = memref.load %arg1[%get3A_612] : memref<1024xi32, #tpu.memory_space<smem>>
    %get3A_614 = arith.index_cast %get3A_613 : i32 to index
    %get3A_615 = arith.constant 24 : index
    %get3A_616 = arith.constant 0 : index
    %get3A_617 = vector.load %arg2[%get3A_614, %get3A_615, %get3A_616] : memref<8x50x768xf32, #tpu.memory_space<vmem>>, vector<1x26x768xf32>
    %get3A_618 = vector.shape_cast %get3A_617 : vector<1x26x768xf32> to vector<26x768xf32>
    %swap3A_619 = arith.constant 36 : index
    %swap3A_620 = arith.constant 0 : index
    %swap3A_621 = arith.constant 0 : index
    %swap3A_622 = vector.load %arg5[%swap3A_619, %swap3A_620, %swap3A_621] : memref<64x26x768xf32, #tpu.memory_space<vmem>>, vector<1x26x768xf32>
    %swap3A_623 = vector.shape_cast %swap3A_622 : vector<1x26x768xf32> to vector<26x768xf32>
    %swap3A_624 = vector.shape_cast %get3A_618 : vector<26x768xf32> to vector<1x26x768xf32>
    tpu.vector_store %arg5[%swap3A_619, %swap3A_620, %swap3A_621], %swap3A_624 {strides = array<i32>} : memref<64x26x768xf32, #tpu.memory_space<vmem>>, vector<1x26x768xf32>,
    %mul3A_625 = arith.constant 64 : i32
    %mul3A_626 = arith.muli %arg0, %mul3A_625 : i32
    %add3A_627 = arith.constant 37 : i32
    %add3A_628 = arith.addi %mul3A_626, %add3A_627 : i32
    %get3A_629 = arith.index_cast %add3A_628 : i32 to index
    %get3A_630 = memref.load %arg1[%get3A_629] : memref<1024xi32, #tpu.memory_space<smem>>
    %get3A_631 = arith.index_cast %get3A_630 : i32 to index
    %get3A_632 = arith.constant 24 : index
    %get3A_633 = arith.constant 0 : index
    %get3A_634 = vector.load %arg2[%get3A_631, %get3A_632, %get3A_633] : memref<8x50x768xf32, #tpu.memory_space<vmem>>, vector<1x26x768xf32>
    %get3A_635 = vector.shape_cast %get3A_634 : vector<1x26x768xf32> to vector<26x768xf32>
    %swap3A_636 = arith.constant 37 : index
    %swap3A_637 = arith.constant 0 : index
    %swap3A_638 = arith.constant 0 : index
    %swap3A_639 = vector.load %arg5[%swap3A_636, %swap3A_637, %swap3A_638] : memref<64x26x768xf32, #tpu.memory_space<vmem>>, vector<1x26x768xf32>
    %swap3A_640 = vector.shape_cast %swap3A_639 : vector<1x26x768xf32> to vector<26x768xf32>
    %swap3A_641 = vector.shape_cast %get3A_635 : vector<26x768xf32> to vector<1x26x768xf32>
    tpu.vector_store %arg5[%swap3A_636, %swap3A_637, %swap3A_638], %swap3A_641 {strides = array<i32>} : memref<64x26x768xf32, #tpu.memory_space<vmem>>, vector<1x26x768xf32>,
    %mul3A_642 = arith.constant 64 : i32
    %mul3A_643 = arith.muli %arg0, %mul3A_642 : i32
    %add3A_644 = arith.constant 38 : i32
    %add3A_645 = arith.addi %mul3A_643, %add3A_644 : i32
    %get3A_646 = arith.index_cast %add3A_645 : i32 to index
    %get3A_647 = memref.load %arg1[%get3A_646] : memref<1024xi32, #tpu.memory_space<smem>>
    %get3A_648 = arith.index_cast %get3A_647 : i32 to index
    %get3A_649 = arith.constant 24 : index
    %get3A_650 = arith.constant 0 : index
    %get3A_651 = vector.load %arg2[%get3A_648, %get3A_649, %get3A_650] : memref<8x50x768xf32, #tpu.memory_space<vmem>>, vector<1x26x768xf32>
    %get3A_652 = vector.shape_cast %get3A_651 : vector<1x26x768xf32> to vector<26x768xf32>
    %swap3A_653 = arith.constant 38 : index
    %swap3A_654 = arith.constant 0 : index
    %swap3A_655 = arith.constant 0 : index
    %swap3A_656 = vector.load %arg5[%swap3A_653, %swap3A_654, %swap3A_655] : memref<64x26x768xf32, #tpu.memory_space<vmem>>, vector<1x26x768xf32>
    %swap3A_657 = vector.shape_cast %swap3A_656 : vector<1x26x768xf32> to vector<26x768xf32>
    %swap3A_658 = vector.shape_cast %get3A_652 : vector<26x768xf32> to vector<1x26x768xf32>
    tpu.vector_store %arg5[%swap3A_653, %swap3A_654, %swap3A_655], %swap3A_658 {strides = array<i32>} : memref<64x26x768xf32, #tpu.memory_space<vmem>>, vector<1x26x768xf32>,
    %mul3A_659 = arith.constant 64 : i32
    %mul3A_660 = arith.muli %arg0, %mul3A_659 : i32
    %add3A_661 = arith.constant 39 : i32
    %add3A_662 = arith.addi %mul3A_660, %add3A_661 : i32
    %get3A_663 = arith.index_cast %add3A_662 : i32 to index
    %get3A_664 = memref.load %arg1[%get3A_663] : memref<1024xi32, #tpu.memory_space<smem>>
    %get3A_665 = arith.index_cast %get3A_664 : i32 to index
    %get3A_666 = arith.constant 24 : index
    %get3A_667 = arith.constant 0 : index
    %get3A_668 = vector.load %arg2[%get3A_665, %get3A_666, %get3A_667] : memref<8x50x768xf32, #tpu.memory_space<vmem>>, vector<1x26x768xf32>
    %get3A_669 = vector.shape_cast %get3A_668 : vector<1x26x768xf32> to vector<26x768xf32>
    %swap3A_670 = arith.constant 39 : index
    %swap3A_671 = arith.constant 0 : index
    %swap3A_672 = arith.constant 0 : index
    %swap3A_673 = vector.load %arg5[%swap3A_670, %swap3A_671, %swap3A_672] : memref<64x26x768xf32, #tpu.memory_space<vmem>>, vector<1x26x768xf32>
    %swap3A_674 = vector.shape_cast %swap3A_673 : vector<1x26x768xf32> to vector<26x768xf32>
    %swap3A_675 = vector.shape_cast %get3A_669 : vector<26x768xf32> to vector<1x26x768xf32>
    tpu.vector_store %arg5[%swap3A_670, %swap3A_671, %swap3A_672], %swap3A_675 {strides = array<i32>} : memref<64x26x768xf32, #tpu.memory_space<vmem>>, vector<1x26x768xf32>,
    %mul3A_676 = arith.constant 64 : i32
    %mul3A_677 = arith.muli %arg0, %mul3A_676 : i32
    %add3A_678 = arith.constant 40 : i32
    %add3A_679 = arith.addi %mul3A_677, %add3A_678 : i32
    %get3A_680 = arith.index_cast %add3A_679 : i32 to index
    %get3A_681 = memref.load %arg1[%get3A_680] : memref<1024xi32, #tpu.memory_space<smem>>
    %get3A_682 = arith.index_cast %get3A_681 : i32 to index
    %get3A_683 = arith.constant 24 : index
    %get3A_684 = arith.constant 0 : index
    %get3A_685 = vector.load %arg2[%get3A_682, %get3A_683, %get3A_684] : memref<8x50x768xf32, #tpu.memory_space<vmem>>, vector<1x26x768xf32>
    %get3A_686 = vector.shape_cast %get3A_685 : vector<1x26x768xf32> to vector<26x768xf32>
    %swap3A_687 = arith.constant 40 : index
    %swap3A_688 = arith.constant 0 : index
    %swap3A_689 = arith.constant 0 : index
    %swap3A_690 = vector.load %arg5[%swap3A_687, %swap3A_688, %swap3A_689] : memref<64x26x768xf32, #tpu.memory_space<vmem>>, vector<1x26x768xf32>
    %swap3A_691 = vector.shape_cast %swap3A_690 : vector<1x26x768xf32> to vector<26x768xf32>
    %swap3A_692 = vector.shape_cast %get3A_686 : vector<26x768xf32> to vector<1x26x768xf32>
    tpu.vector_store %arg5[%swap3A_687, %swap3A_688, %swap3A_689], %swap3A_692 {strides = array<i32>} : memref<64x26x768xf32, #tpu.memory_space<vmem>>, vector<1x26x768xf32>,
    %mul3A_693 = arith.constant 64 : i32
    %mul3A_694 = arith.muli %arg0, %mul3A_693 : i32
    %add3A_695 = arith.constant 41 : i32
    %add3A_696 = arith.addi %mul3A_694, %add3A_695 : i32
    %get3A_697 = arith.index_cast %add3A_696 : i32 to index
    %get3A_698 = memref.load %arg1[%get3A_697] : memref<1024xi32, #tpu.memory_space<smem>>
    %get3A_699 = arith.index_cast %get3A_698 : i32 to index
    %get3A_700 = arith.constant 24 : index
    %get3A_701 = arith.constant 0 : index
    %get3A_702 = vector.load %arg2[%get3A_699, %get3A_700, %get3A_701] : memref<8x50x768xf32, #tpu.memory_space<vmem>>, vector<1x26x768xf32>
    %get3A_703 = vector.shape_cast %get3A_702 : vector<1x26x768xf32> to vector<26x768xf32>
    %swap3A_704 = arith.constant 41 : index
    %swap3A_705 = arith.constant 0 : index
    %swap3A_706 = arith.constant 0 : index
    %swap3A_707 = vector.load %arg5[%swap3A_704, %swap3A_705, %swap3A_706] : memref<64x26x768xf32, #tpu.memory_space<vmem>>, vector<1x26x768xf32>
    %swap3A_708 = vector.shape_cast %swap3A_707 : vector<1x26x768xf32> to vector<26x768xf32>
    %swap3A_709 = vector.shape_cast %get3A_703 : vector<26x768xf32> to vector<1x26x768xf32>
    tpu.vector_store %arg5[%swap3A_704, %swap3A_705, %swap3A_706], %swap3A_709 {strides = array<i32>} : memref<64x26x768xf32, #tpu.memory_space<vmem>>, vector<1x26x768xf32>,
    %mul3A_710 = arith.constant 64 : i32
    %mul3A_711 = arith.muli %arg0, %mul3A_710 : i32
    %add3A_712 = arith.constant 42 : i32
    %add3A_713 = arith.addi %mul3A_711, %add3A_712 : i32
    %get3A_714 = arith.index_cast %add3A_713 : i32 to index
    %get3A_715 = memref.load %arg1[%get3A_714] : memref<1024xi32, #tpu.memory_space<smem>>
    %get3A_716 = arith.index_cast %get3A_715 : i32 to index
    %get3A_717 = arith.constant 24 : index
    %get3A_718 = arith.constant 0 : index
    %get3A_719 = vector.load %arg2[%get3A_716, %get3A_717, %get3A_718] : memref<8x50x768xf32, #tpu.memory_space<vmem>>, vector<1x26x768xf32>
    %get3A_720 = vector.shape_cast %get3A_719 : vector<1x26x768xf32> to vector<26x768xf32>
    %swap3A_721 = arith.constant 42 : index
    %swap3A_722 = arith.constant 0 : index
    %swap3A_723 = arith.constant 0 : index
    %swap3A_724 = vector.load %arg5[%swap3A_721, %swap3A_722, %swap3A_723] : memref<64x26x768xf32, #tpu.memory_space<vmem>>, vector<1x26x768xf32>
    %swap3A_725 = vector.shape_cast %swap3A_724 : vector<1x26x768xf32> to vector<26x768xf32>
    %swap3A_726 = vector.shape_cast %get3A_720 : vector<26x768xf32> to vector<1x26x768xf32>
    tpu.vector_store %arg5[%swap3A_721, %swap3A_722, %swap3A_723], %swap3A_726 {strides = array<i32>} : memref<64x26x768xf32, #tpu.memory_space<vmem>>, vector<1x26x768xf32>,
    %mul3A_727 = arith.constant 64 : i32
    %mul3A_728 = arith.muli %arg0, %mul3A_727 : i32
    %add3A_729 = arith.constant 43 : i32
    %add3A_730 = arith.addi %mul3A_728, %add3A_729 : i32
    %get3A_731 = arith.index_cast %add3A_730 : i32 to index
    %get3A_732 = memref.load %arg1[%get3A_731] : memref<1024xi32, #tpu.memory_space<smem>>
    %get3A_733 = arith.index_cast %get3A_732 : i32 to index
    %get3A_734 = arith.constant 24 : index
    %get3A_735 = arith.constant 0 : index
    %get3A_736 = vector.load %arg2[%get3A_733, %get3A_734, %get3A_735] : memref<8x50x768xf32, #tpu.memory_space<vmem>>, vector<1x26x768xf32>
    %get3A_737 = vector.shape_cast %get3A_736 : vector<1x26x768xf32> to vector<26x768xf32>
    %swap3A_738 = arith.constant 43 : index
    %swap3A_739 = arith.constant 0 : index
    %swap3A_740 = arith.constant 0 : index
    %swap3A_741 = vector.load %arg5[%swap3A_738, %swap3A_739, %swap3A_740] : memref<64x26x768xf32, #tpu.memory_space<vmem>>, vector<1x26x768xf32>
    %swap3A_742 = vector.shape_cast %swap3A_741 : vector<1x26x768xf32> to vector<26x768xf32>
    %swap3A_743 = vector.shape_cast %get3A_737 : vector<26x768xf32> to vector<1x26x768xf32>
    tpu.vector_store %arg5[%swap3A_738, %swap3A_739, %swap3A_740], %swap3A_743 {strides = array<i32>} : memref<64x26x768xf32, #tpu.memory_space<vmem>>, vector<1x26x768xf32>,
    %mul3A_744 = arith.constant 64 : i32
    %mul3A_745 = arith.muli %arg0, %mul3A_744 : i32
    %add3A_746 = arith.constant 44 : i32
    %add3A_747 = arith.addi %mul3A_745, %add3A_746 : i32
    %get3A_748 = arith.index_cast %add3A_747 : i32 to index
    %get3A_749 = memref.load %arg1[%get3A_748] : memref<1024xi32, #tpu.memory_space<smem>>
    %get3A_750 = arith.index_cast %get3A_749 : i32 to index
    %get3A_751 = arith.constant 24 : index
    %get3A_752 = arith.constant 0 : index
    %get3A_753 = vector.load %arg2[%get3A_750, %get3A_751, %get3A_752] : memref<8x50x768xf32, #tpu.memory_space<vmem>>, vector<1x26x768xf32>
    %get3A_754 = vector.shape_cast %get3A_753 : vector<1x26x768xf32> to vector<26x768xf32>
    %swap3A_755 = arith.constant 44 : index
    %swap3A_756 = arith.constant 0 : index
    %swap3A_757 = arith.constant 0 : index
    %swap3A_758 = vector.load %arg5[%swap3A_755, %swap3A_756, %swap3A_757] : memref<64x26x768xf32, #tpu.memory_space<vmem>>, vector<1x26x768xf32>
    %swap3A_759 = vector.shape_cast %swap3A_758 : vector<1x26x768xf32> to vector<26x768xf32>
    %swap3A_760 = vector.shape_cast %get3A_754 : vector<26x768xf32> to vector<1x26x768xf32>
    tpu.vector_store %arg5[%swap3A_755, %swap3A_756, %swap3A_757], %swap3A_760 {strides = array<i32>} : memref<64x26x768xf32, #tpu.memory_space<vmem>>, vector<1x26x768xf32>,
    %mul3A_761 = arith.constant 64 : i32
    %mul3A_762 = arith.muli %arg0, %mul3A_761 : i32
    %add3A_763 = arith.constant 45 : i32
    %add3A_764 = arith.addi %mul3A_762, %add3A_763 : i32
    %get3A_765 = arith.index_cast %add3A_764 : i32 to index
    %get3A_766 = memref.load %arg1[%get3A_765] : memref<1024xi32, #tpu.memory_space<smem>>
    %get3A_767 = arith.index_cast %get3A_766 : i32 to index
    %get3A_768 = arith.constant 24 : index
    %get3A_769 = arith.constant 0 : index
    %get3A_770 = vector.load %arg2[%get3A_767, %get3A_768, %get3A_769] : memref<8x50x768xf32, #tpu.memory_space<vmem>>, vector<1x26x768xf32>
    %get3A_771 = vector.shape_cast %get3A_770 : vector<1x26x768xf32> to vector<26x768xf32>
    %swap3A_772 = arith.constant 45 : index
    %swap3A_773 = arith.constant 0 : index
    %swap3A_774 = arith.constant 0 : index
    %swap3A_775 = vector.load %arg5[%swap3A_772, %swap3A_773, %swap3A_774] : memref<64x26x768xf32, #tpu.memory_space<vmem>>, vector<1x26x768xf32>
    %swap3A_776 = vector.shape_cast %swap3A_775 : vector<1x26x768xf32> to vector<26x768xf32>
    %swap3A_777 = vector.shape_cast %get3A_771 : vector<26x768xf32> to vector<1x26x768xf32>
    tpu.vector_store %arg5[%swap3A_772, %swap3A_773, %swap3A_774], %swap3A_777 {strides = array<i32>} : memref<64x26x768xf32, #tpu.memory_space<vmem>>, vector<1x26x768xf32>,
    %mul3A_778 = arith.constant 64 : i32
    %mul3A_779 = arith.muli %arg0, %mul3A_778 : i32
    %add3A_780 = arith.constant 46 : i32
    %add3A_781 = arith.addi %mul3A_779, %add3A_780 : i32
    %get3A_782 = arith.index_cast %add3A_781 : i32 to index
    %get3A_783 = memref.load %arg1[%get3A_782] : memref<1024xi32, #tpu.memory_space<smem>>
    %get3A_784 = arith.index_cast %get3A_783 : i32 to index
    %get3A_785 = arith.constant 24 : index
    %get3A_786 = arith.constant 0 : index
    %get3A_787 = vector.load %arg2[%get3A_784, %get3A_785, %get3A_786] : memref<8x50x768xf32, #tpu.memory_space<vmem>>, vector<1x26x768xf32>
    %get3A_788 = vector.shape_cast %get3A_787 : vector<1x26x768xf32> to vector<26x768xf32>
    %swap3A_789 = arith.constant 46 : index
    %swap3A_790 = arith.constant 0 : index
    %swap3A_791 = arith.constant 0 : index
    %swap3A_792 = vector.load %arg5[%swap3A_789, %swap3A_790, %swap3A_791] : memref<64x26x768xf32, #tpu.memory_space<vmem>>, vector<1x26x768xf32>
    %swap3A_793 = vector.shape_cast %swap3A_792 : vector<1x26x768xf32> to vector<26x768xf32>
    %swap3A_794 = vector.shape_cast %get3A_788 : vector<26x768xf32> to vector<1x26x768xf32>
    tpu.vector_store %arg5[%swap3A_789, %swap3A_790, %swap3A_791], %swap3A_794 {strides = array<i32>} : memref<64x26x768xf32, #tpu.memory_space<vmem>>, vector<1x26x768xf32>,
    %mul3A_795 = arith.constant 64 : i32
    %mul3A_796 = arith.muli %arg0, %mul3A_795 : i32
    %add3A_797 = arith.constant 47 : i32
    %add3A_798 = arith.addi %mul3A_796, %add3A_797 : i32
    %get3A_799 = arith.index_cast %add3A_798 : i32 to index
    %get3A_800 = memref.load %arg1[%get3A_799] : memref<1024xi32, #tpu.memory_space<smem>>
    %get3A_801 = arith.index_cast %get3A_800 : i32 to index
    %get3A_802 = arith.constant 24 : index
    %get3A_803 = arith.constant 0 : index
    %get3A_804 = vector.load %arg2[%get3A_801, %get3A_802, %get3A_803] : memref<8x50x768xf32, #tpu.memory_space<vmem>>, vector<1x26x768xf32>
    %get3A_805 = vector.shape_cast %get3A_804 : vector<1x26x768xf32> to vector<26x768xf32>
    %swap3A_806 = arith.constant 47 : index
    %swap3A_807 = arith.constant 0 : index
    %swap3A_808 = arith.constant 0 : index
    %swap3A_809 = vector.load %arg5[%swap3A_806, %swap3A_807, %swap3A_808] : memref<64x26x768xf32, #tpu.memory_space<vmem>>, vector<1x26x768xf32>
    %swap3A_810 = vector.shape_cast %swap3A_809 : vector<1x26x768xf32> to vector<26x768xf32>
    %swap3A_811 = vector.shape_cast %get3A_805 : vector<26x768xf32> to vector<1x26x768xf32>
    tpu.vector_store %arg5[%swap3A_806, %swap3A_807, %swap3A_808], %swap3A_811 {strides = array<i32>} : memref<64x26x768xf32, #tpu.memory_space<vmem>>, vector<1x26x768xf32>,
    %mul3A_812 = arith.constant 64 : i32
    %mul3A_813 = arith.muli %arg0, %mul3A_812 : i32
    %add3A_814 = arith.constant 48 : i32
    %add3A_815 = arith.addi %mul3A_813, %add3A_814 : i32
    %get3A_816 = arith.index_cast %add3A_815 : i32 to index
    %get3A_817 = memref.load %arg1[%get3A_816] : memref<1024xi32, #tpu.memory_space<smem>>
    %get3A_818 = arith.index_cast %get3A_817 : i32 to index
    %get3A_819 = arith.constant 24 : index
    %get3A_820 = arith.constant 0 : index
    %get3A_821 = vector.load %arg2[%get3A_818, %get3A_819, %get3A_820] : memref<8x50x768xf32, #tpu.memory_space<vmem>>, vector<1x26x768xf32>
    %get3A_822 = vector.shape_cast %get3A_821 : vector<1x26x768xf32> to vector<26x768xf32>
    %swap3A_823 = arith.constant 48 : index
    %swap3A_824 = arith.constant 0 : index
    %swap3A_825 = arith.constant 0 : index
    %swap3A_826 = vector.load %arg5[%swap3A_823, %swap3A_824, %swap3A_825] : memref<64x26x768xf32, #tpu.memory_space<vmem>>, vector<1x26x768xf32>
    %swap3A_827 = vector.shape_cast %swap3A_826 : vector<1x26x768xf32> to vector<26x768xf32>
    %swap3A_828 = vector.shape_cast %get3A_822 : vector<26x768xf32> to vector<1x26x768xf32>
    tpu.vector_store %arg5[%swap3A_823, %swap3A_824, %swap3A_825], %swap3A_828 {strides = array<i32>} : memref<64x26x768xf32, #tpu.memory_space<vmem>>, vector<1x26x768xf32>,
    %mul3A_829 = arith.constant 64 : i32
    %mul3A_830 = arith.muli %arg0, %mul3A_829 : i32
    %add3A_831 = arith.constant 49 : i32
    %add3A_832 = arith.addi %mul3A_830, %add3A_831 : i32
    %get3A_833 = arith.index_cast %add3A_832 : i32 to index
    %get3A_834 = memref.load %arg1[%get3A_833] : memref<1024xi32, #tpu.memory_space<smem>>
    %get3A_835 = arith.index_cast %get3A_834 : i32 to index
    %get3A_836 = arith.constant 24 : index
    %get3A_837 = arith.constant 0 : index
    %get3A_838 = vector.load %arg2[%get3A_835, %get3A_836, %get3A_837] : memref<8x50x768xf32, #tpu.memory_space<vmem>>, vector<1x26x768xf32>
    %get3A_839 = vector.shape_cast %get3A_838 : vector<1x26x768xf32> to vector<26x768xf32>
    %swap3A_840 = arith.constant 49 : index
    %swap3A_841 = arith.constant 0 : index
    %swap3A_842 = arith.constant 0 : index
    %swap3A_843 = vector.load %arg5[%swap3A_840, %swap3A_841, %swap3A_842] : memref<64x26x768xf32, #tpu.memory_space<vmem>>, vector<1x26x768xf32>
    %swap3A_844 = vector.shape_cast %swap3A_843 : vector<1x26x768xf32> to vector<26x768xf32>
    %swap3A_845 = vector.shape_cast %get3A_839 : vector<26x768xf32> to vector<1x26x768xf32>
    tpu.vector_store %arg5[%swap3A_840, %swap3A_841, %swap3A_842], %swap3A_845 {strides = array<i32>} : memref<64x26x768xf32, #tpu.memory_space<vmem>>, vector<1x26x768xf32>,
    %mul3A_846 = arith.constant 64 : i32
    %mul3A_847 = arith.muli %arg0, %mul3A_846 : i32
    %add3A_848 = arith.constant 50 : i32
    %add3A_849 = arith.addi %mul3A_847, %add3A_848 : i32
    %get3A_850 = arith.index_cast %add3A_849 : i32 to index
    %get3A_851 = memref.load %arg1[%get3A_850] : memref<1024xi32, #tpu.memory_space<smem>>
    %get3A_852 = arith.index_cast %get3A_851 : i32 to index
    %get3A_853 = arith.constant 24 : index
    %get3A_854 = arith.constant 0 : index
    %get3A_855 = vector.load %arg2[%get3A_852, %get3A_853, %get3A_854] : memref<8x50x768xf32, #tpu.memory_space<vmem>>, vector<1x26x768xf32>
    %get3A_856 = vector.shape_cast %get3A_855 : vector<1x26x768xf32> to vector<26x768xf32>
    %swap3A_857 = arith.constant 50 : index
    %swap3A_858 = arith.constant 0 : index
    %swap3A_859 = arith.constant 0 : index
    %swap3A_860 = vector.load %arg5[%swap3A_857, %swap3A_858, %swap3A_859] : memref<64x26x768xf32, #tpu.memory_space<vmem>>, vector<1x26x768xf32>
    %swap3A_861 = vector.shape_cast %swap3A_860 : vector<1x26x768xf32> to vector<26x768xf32>
    %swap3A_862 = vector.shape_cast %get3A_856 : vector<26x768xf32> to vector<1x26x768xf32>
    tpu.vector_store %arg5[%swap3A_857, %swap3A_858, %swap3A_859], %swap3A_862 {strides = array<i32>} : memref<64x26x768xf32, #tpu.memory_space<vmem>>, vector<1x26x768xf32>,
    %mul3A_863 = arith.constant 64 : i32
    %mul3A_864 = arith.muli %arg0, %mul3A_863 : i32
    %add3A_865 = arith.constant 51 : i32
    %add3A_866 = arith.addi %mul3A_864, %add3A_865 : i32
    %get3A_867 = arith.index_cast %add3A_866 : i32 to index
    %get3A_868 = memref.load %arg1[%get3A_867] : memref<1024xi32, #tpu.memory_space<smem>>
    %get3A_869 = arith.index_cast %get3A_868 : i32 to index
    %get3A_870 = arith.constant 24 : index
    %get3A_871 = arith.constant 0 : index
    %get3A_872 = vector.load %arg2[%get3A_869, %get3A_870, %get3A_871] : memref<8x50x768xf32, #tpu.memory_space<vmem>>, vector<1x26x768xf32>
    %get3A_873 = vector.shape_cast %get3A_872 : vector<1x26x768xf32> to vector<26x768xf32>
    %swap3A_874 = arith.constant 51 : index
    %swap3A_875 = arith.constant 0 : index
    %swap3A_876 = arith.constant 0 : index
    %swap3A_877 = vector.load %arg5[%swap3A_874, %swap3A_875, %swap3A_876] : memref<64x26x768xf32, #tpu.memory_space<vmem>>, vector<1x26x768xf32>
    %swap3A_878 = vector.shape_cast %swap3A_877 : vector<1x26x768xf32> to vector<26x768xf32>
    %swap3A_879 = vector.shape_cast %get3A_873 : vector<26x768xf32> to vector<1x26x768xf32>
    tpu.vector_store %arg5[%swap3A_874, %swap3A_875, %swap3A_876], %swap3A_879 {strides = array<i32>} : memref<64x26x768xf32, #tpu.memory_space<vmem>>, vector<1x26x768xf32>,
    %mul3A_880 = arith.constant 64 : i32
    %mul3A_881 = arith.muli %arg0, %mul3A_880 : i32
    %add3A_882 = arith.constant 52 : i32
    %add3A_883 = arith.addi %mul3A_881, %add3A_882 : i32
    %get3A_884 = arith.index_cast %add3A_883 : i32 to index
    %get3A_885 = memref.load %arg1[%get3A_884] : memref<1024xi32, #tpu.memory_space<smem>>
    %get3A_886 = arith.index_cast %get3A_885 : i32 to index
    %get3A_887 = arith.constant 24 : index
    %get3A_888 = arith.constant 0 : index
    %get3A_889 = vector.load %arg2[%get3A_886, %get3A_887, %get3A_888] : memref<8x50x768xf32, #tpu.memory_space<vmem>>, vector<1x26x768xf32>
    %get3A_890 = vector.shape_cast %get3A_889 : vector<1x26x768xf32> to vector<26x768xf32>
    %swap3A_891 = arith.constant 52 : index
    %swap3A_892 = arith.constant 0 : index
    %swap3A_893 = arith.constant 0 : index
    %swap3A_894 = vector.load %arg5[%swap3A_891, %swap3A_892, %swap3A_893] : memref<64x26x768xf32, #tpu.memory_space<vmem>>, vector<1x26x768xf32>
    %swap3A_895 = vector.shape_cast %swap3A_894 : vector<1x26x768xf32> to vector<26x768xf32>
    %swap3A_896 = vector.shape_cast %get3A_890 : vector<26x768xf32> to vector<1x26x768xf32>
    tpu.vector_store %arg5[%swap3A_891, %swap3A_892, %swap3A_893], %swap3A_896 {strides = array<i32>} : memref<64x26x768xf32, #tpu.memory_space<vmem>>, vector<1x26x768xf32>,
    %mul3A_897 = arith.constant 64 : i32
    %mul3A_898 = arith.muli %arg0, %mul3A_897 : i32
    %add3A_899 = arith.constant 53 : i32
    %add3A_900 = arith.addi %mul3A_898, %add3A_899 : i32
    %get3A_901 = arith.index_cast %add3A_900 : i32 to index
    %get3A_902 = memref.load %arg1[%get3A_901] : memref<1024xi32, #tpu.memory_space<smem>>
    %get3A_903 = arith.index_cast %get3A_902 : i32 to index
    %get3A_904 = arith.constant 24 : index
    %get3A_905 = arith.constant 0 : index
    %get3A_906 = vector.load %arg2[%get3A_903, %get3A_904, %get3A_905] : memref<8x50x768xf32, #tpu.memory_space<vmem>>, vector<1x26x768xf32>
    %get3A_907 = vector.shape_cast %get3A_906 : vector<1x26x768xf32> to vector<26x768xf32>
    %swap3A_908 = arith.constant 53 : index
    %swap3A_909 = arith.constant 0 : index
    %swap3A_910 = arith.constant 0 : index
    %swap3A_911 = vector.load %arg5[%swap3A_908, %swap3A_909, %swap3A_910] : memref<64x26x768xf32, #tpu.memory_space<vmem>>, vector<1x26x768xf32>
    %swap3A_912 = vector.shape_cast %swap3A_911 : vector<1x26x768xf32> to vector<26x768xf32>
    %swap3A_913 = vector.shape_cast %get3A_907 : vector<26x768xf32> to vector<1x26x768xf32>
    tpu.vector_store %arg5[%swap3A_908, %swap3A_909, %swap3A_910], %swap3A_913 {strides = array<i32>} : memref<64x26x768xf32, #tpu.memory_space<vmem>>, vector<1x26x768xf32>,
    %mul3A_914 = arith.constant 64 : i32
    %mul3A_915 = arith.muli %arg0, %mul3A_914 : i32
    %add3A_916 = arith.constant 54 : i32
    %add3A_917 = arith.addi %mul3A_915, %add3A_916 : i32
    %get3A_918 = arith.index_cast %add3A_917 : i32 to index
    %get3A_919 = memref.load %arg1[%get3A_918] : memref<1024xi32, #tpu.memory_space<smem>>
    %get3A_920 = arith.index_cast %get3A_919 : i32 to index
    %get3A_921 = arith.constant 24 : index
    %get3A_922 = arith.constant 0 : index
    %get3A_923 = vector.load %arg2[%get3A_920, %get3A_921, %get3A_922] : memref<8x50x768xf32, #tpu.memory_space<vmem>>, vector<1x26x768xf32>
    %get3A_924 = vector.shape_cast %get3A_923 : vector<1x26x768xf32> to vector<26x768xf32>
    %swap3A_925 = arith.constant 54 : index
    %swap3A_926 = arith.constant 0 : index
    %swap3A_927 = arith.constant 0 : index
    %swap3A_928 = vector.load %arg5[%swap3A_925, %swap3A_926, %swap3A_927] : memref<64x26x768xf32, #tpu.memory_space<vmem>>, vector<1x26x768xf32>
    %swap3A_929 = vector.shape_cast %swap3A_928 : vector<1x26x768xf32> to vector<26x768xf32>
    %swap3A_930 = vector.shape_cast %get3A_924 : vector<26x768xf32> to vector<1x26x768xf32>
    tpu.vector_store %arg5[%swap3A_925, %swap3A_926, %swap3A_927], %swap3A_930 {strides = array<i32>} : memref<64x26x768xf32, #tpu.memory_space<vmem>>, vector<1x26x768xf32>,
    %mul3A_931 = arith.constant 64 : i32
    %mul3A_932 = arith.muli %arg0, %mul3A_931 : i32
    %add3A_933 = arith.constant 55 : i32
    %add3A_934 = arith.addi %mul3A_932, %add3A_933 : i32
    %get3A_935 = arith.index_cast %add3A_934 : i32 to index
    %get3A_936 = memref.load %arg1[%get3A_935] : memref<1024xi32, #tpu.memory_space<smem>>
    %get3A_937 = arith.index_cast %get3A_936 : i32 to index
    %get3A_938 = arith.constant 24 : index
    %get3A_939 = arith.constant 0 : index
    %get3A_940 = vector.load %arg2[%get3A_937, %get3A_938, %get3A_939] : memref<8x50x768xf32, #tpu.memory_space<vmem>>, vector<1x26x768xf32>
    %get3A_941 = vector.shape_cast %get3A_940 : vector<1x26x768xf32> to vector<26x768xf32>
    %swap3A_942 = arith.constant 55 : index
    %swap3A_943 = arith.constant 0 : index
    %swap3A_944 = arith.constant 0 : index
    %swap3A_945 = vector.load %arg5[%swap3A_942, %swap3A_943, %swap3A_944] : memref<64x26x768xf32, #tpu.memory_space<vmem>>, vector<1x26x768xf32>
    %swap3A_946 = vector.shape_cast %swap3A_945 : vector<1x26x768xf32> to vector<26x768xf32>
    %swap3A_947 = vector.shape_cast %get3A_941 : vector<26x768xf32> to vector<1x26x768xf32>
    tpu.vector_store %arg5[%swap3A_942, %swap3A_943, %swap3A_944], %swap3A_947 {strides = array<i32>} : memref<64x26x768xf32, #tpu.memory_space<vmem>>, vector<1x26x768xf32>,
    %mul3A_948 = arith.constant 64 : i32
    %mul3A_949 = arith.muli %arg0, %mul3A_948 : i32
    %add3A_950 = arith.constant 56 : i32
    %add3A_951 = arith.addi %mul3A_949, %add3A_950 : i32
    %get3A_952 = arith.index_cast %add3A_951 : i32 to index
    %get3A_953 = memref.load %arg1[%get3A_952] : memref<1024xi32, #tpu.memory_space<smem>>
    %get3A_954 = arith.index_cast %get3A_953 : i32 to index
    %get3A_955 = arith.constant 24 : index
    %get3A_956 = arith.constant 0 : index
    %get3A_957 = vector.load %arg2[%get3A_954, %get3A_955, %get3A_956] : memref<8x50x768xf32, #tpu.memory_space<vmem>>, vector<1x26x768xf32>
    %get3A_958 = vector.shape_cast %get3A_957 : vector<1x26x768xf32> to vector<26x768xf32>
    %swap3A_959 = arith.constant 56 : index
    %swap3A_960 = arith.constant 0 : index
    %swap3A_961 = arith.constant 0 : index
    %swap3A_962 = vector.load %arg5[%swap3A_959, %swap3A_960, %swap3A_961] : memref<64x26x768xf32, #tpu.memory_space<vmem>>, vector<1x26x768xf32>
    %swap3A_963 = vector.shape_cast %swap3A_962 : vector<1x26x768xf32> to vector<26x768xf32>
    %swap3A_964 = vector.shape_cast %get3A_958 : vector<26x768xf32> to vector<1x26x768xf32>
    tpu.vector_store %arg5[%swap3A_959, %swap3A_960, %swap3A_961], %swap3A_964 {strides = array<i32>} : memref<64x26x768xf32, #tpu.memory_space<vmem>>, vector<1x26x768xf32>,
    %mul3A_965 = arith.constant 64 : i32
    %mul3A_966 = arith.muli %arg0, %mul3A_965 : i32
    %add3A_967 = arith.constant 57 : i32
    %add3A_968 = arith.addi %mul3A_966, %add3A_967 : i32
    %get3A_969 = arith.index_cast %add3A_968 : i32 to index
    %get3A_970 = memref.load %arg1[%get3A_969] : memref<1024xi32, #tpu.memory_space<smem>>
    %get3A_971 = arith.index_cast %get3A_970 : i32 to index
    %get3A_972 = arith.constant 24 : index
    %get3A_973 = arith.constant 0 : index
    %get3A_974 = vector.load %arg2[%get3A_971, %get3A_972, %get3A_973] : memref<8x50x768xf32, #tpu.memory_space<vmem>>, vector<1x26x768xf32>
    %get3A_975 = vector.shape_cast %get3A_974 : vector<1x26x768xf32> to vector<26x768xf32>
    %swap3A_976 = arith.constant 57 : index
    %swap3A_977 = arith.constant 0 : index
    %swap3A_978 = arith.constant 0 : index
    %swap3A_979 = vector.load %arg5[%swap3A_976, %swap3A_977, %swap3A_978] : memref<64x26x768xf32, #tpu.memory_space<vmem>>, vector<1x26x768xf32>
    %swap3A_980 = vector.shape_cast %swap3A_979 : vector<1x26x768xf32> to vector<26x768xf32>
    %swap3A_981 = vector.shape_cast %get3A_975 : vector<26x768xf32> to vector<1x26x768xf32>
    tpu.vector_store %arg5[%swap3A_976, %swap3A_977, %swap3A_978], %swap3A_981 {strides = array<i32>} : memref<64x26x768xf32, #tpu.memory_space<vmem>>, vector<1x26x768xf32>,
    %mul3A_982 = arith.constant 64 : i32
    %mul3A_983 = arith.muli %arg0, %mul3A_982 : i32
    %add3A_984 = arith.constant 58 : i32
    %add3A_985 = arith.addi %mul3A_983, %add3A_984 : i32
    %get3A_986 = arith.index_cast %add3A_985 : i32 to index
    %get3A_987 = memref.load %arg1[%get3A_986] : memref<1024xi32, #tpu.memory_space<smem>>
    %get3A_988 = arith.index_cast %get3A_987 : i32 to index
    %get3A_989 = arith.constant 24 : index
    %get3A_990 = arith.constant 0 : index
    %get3A_991 = vector.load %arg2[%get3A_988, %get3A_989, %get3A_990] : memref<8x50x768xf32, #tpu.memory_space<vmem>>, vector<1x26x768xf32>
    %get3A_992 = vector.shape_cast %get3A_991 : vector<1x26x768xf32> to vector<26x768xf32>
    %swap3A_993 = arith.constant 58 : index
    %swap3A_994 = arith.constant 0 : index
    %swap3A_995 = arith.constant 0 : index
    %swap3A_996 = vector.load %arg5[%swap3A_993, %swap3A_994, %swap3A_995] : memref<64x26x768xf32, #tpu.memory_space<vmem>>, vector<1x26x768xf32>
    %swap3A_997 = vector.shape_cast %swap3A_996 : vector<1x26x768xf32> to vector<26x768xf32>
    %swap3A_998 = vector.shape_cast %get3A_992 : vector<26x768xf32> to vector<1x26x768xf32>
    tpu.vector_store %arg5[%swap3A_993, %swap3A_994, %swap3A_995], %swap3A_998 {strides = array<i32>} : memref<64x26x768xf32, #tpu.memory_space<vmem>>, vector<1x26x768xf32>,
    %mul3A_999 = arith.constant 64 : i32
    %mul3A_1000 = arith.muli %arg0, %mul3A_999 : i32
    %add3A_1001 = arith.constant 59 : i32
    %add3A_1002 = arith.addi %mul3A_1000, %add3A_1001 : i32
    %get3A_1003 = arith.index_cast %add3A_1002 : i32 to index
    %get3A_1004 = memref.load %arg1[%get3A_1003] : memref<1024xi32, #tpu.memory_space<smem>>
    %get3A_1005 = arith.index_cast %get3A_1004 : i32 to index
    %get3A_1006 = arith.constant 24 : index
    %get3A_1007 = arith.constant 0 : index
    %get3A_1008 = vector.load %arg2[%get3A_1005, %get3A_1006, %get3A_1007] : memref<8x50x768xf32, #tpu.memory_space<vmem>>, vector<1x26x768xf32>
    %get3A_1009 = vector.shape_cast %get3A_1008 : vector<1x26x768xf32> to vector<26x768xf32>
    %swap3A_1010 = arith.constant 59 : index
    %swap3A_1011 = arith.constant 0 : index
    %swap3A_1012 = arith.constant 0 : index
    %swap3A_1013 = vector.load %arg5[%swap3A_1010, %swap3A_1011, %swap3A_1012] : memref<64x26x768xf32, #tpu.memory_space<vmem>>, vector<1x26x768xf32>
    %swap3A_1014 = vector.shape_cast %swap3A_1013 : vector<1x26x768xf32> to vector<26x768xf32>
    %swap3A_1015 = vector.shape_cast %get3A_1009 : vector<26x768xf32> to vector<1x26x768xf32>
    tpu.vector_store %arg5[%swap3A_1010, %swap3A_1011, %swap3A_1012], %swap3A_1015 {strides = array<i32>} : memref<64x26x768xf32, #tpu.memory_space<vmem>>, vector<1x26x768xf32>,
    %mul3A_1016 = arith.constant 64 : i32
    %mul3A_1017 = arith.muli %arg0, %mul3A_1016 : i32
    %add3A_1018 = arith.constant 60 : i32
    %add3A_1019 = arith.addi %mul3A_1017, %add3A_1018 : i32
    %get3A_1020 = arith.index_cast %add3A_1019 : i32 to index
    %get3A_1021 = memref.load %arg1[%get3A_1020] : memref<1024xi32, #tpu.memory_space<smem>>
    %get3A_1022 = arith.index_cast %get3A_1021 : i32 to index
    %get3A_1023 = arith.constant 24 : index
    %get3A_1024 = arith.constant 0 : index
    %get3A_1025 = vector.load %arg2[%get3A_1022, %get3A_1023, %get3A_1024] : memref<8x50x768xf32, #tpu.memory_space<vmem>>, vector<1x26x768xf32>
    %get3A_1026 = vector.shape_cast %get3A_1025 : vector<1x26x768xf32> to vector<26x768xf32>
    %swap3A_1027 = arith.constant 60 : index
    %swap3A_1028 = arith.constant 0 : index
    %swap3A_1029 = arith.constant 0 : index
    %swap3A_1030 = vector.load %arg5[%swap3A_1027, %swap3A_1028, %swap3A_1029] : memref<64x26x768xf32, #tpu.memory_space<vmem>>, vector<1x26x768xf32>
    %swap3A_1031 = vector.shape_cast %swap3A_1030 : vector<1x26x768xf32> to vector<26x768xf32>
    %swap3A_1032 = vector.shape_cast %get3A_1026 : vector<26x768xf32> to vector<1x26x768xf32>
    tpu.vector_store %arg5[%swap3A_1027, %swap3A_1028, %swap3A_1029], %swap3A_1032 {strides = array<i32>} : memref<64x26x768xf32, #tpu.memory_space<vmem>>, vector<1x26x768xf32>,
    %mul3A_1033 = arith.constant 64 : i32
    %mul3A_1034 = arith.muli %arg0, %mul3A_1033 : i32
    %add3A_1035 = arith.constant 61 : i32
    %add3A_1036 = arith.addi %mul3A_1034, %add3A_1035 : i32
    %get3A_1037 = arith.index_cast %add3A_1036 : i32 to index
    %get3A_1038 = memref.load %arg1[%get3A_1037] : memref<1024xi32, #tpu.memory_space<smem>>
    %get3A_1039 = arith.index_cast %get3A_1038 : i32 to index
    %get3A_1040 = arith.constant 24 : index
    %get3A_1041 = arith.constant 0 : index
    %get3A_1042 = vector.load %arg2[%get3A_1039, %get3A_1040, %get3A_1041] : memref<8x50x768xf32, #tpu.memory_space<vmem>>, vector<1x26x768xf32>
    %get3A_1043 = vector.shape_cast %get3A_1042 : vector<1x26x768xf32> to vector<26x768xf32>
    %swap3A_1044 = arith.constant 61 : index
    %swap3A_1045 = arith.constant 0 : index
    %swap3A_1046 = arith.constant 0 : index
    %swap3A_1047 = vector.load %arg5[%swap3A_1044, %swap3A_1045, %swap3A_1046] : memref<64x26x768xf32, #tpu.memory_space<vmem>>, vector<1x26x768xf32>
    %swap3A_1048 = vector.shape_cast %swap3A_1047 : vector<1x26x768xf32> to vector<26x768xf32>
    %swap3A_1049 = vector.shape_cast %get3A_1043 : vector<26x768xf32> to vector<1x26x768xf32>
    tpu.vector_store %arg5[%swap3A_1044, %swap3A_1045, %swap3A_1046], %swap3A_1049 {strides = array<i32>} : memref<64x26x768xf32, #tpu.memory_space<vmem>>, vector<1x26x768xf32>,
    %mul3A_1050 = arith.constant 64 : i32
    %mul3A_1051 = arith.muli %arg0, %mul3A_1050 : i32
    %add3A_1052 = arith.constant 62 : i32
    %add3A_1053 = arith.addi %mul3A_1051, %add3A_1052 : i32
    %get3A_1054 = arith.index_cast %add3A_1053 : i32 to index
    %get3A_1055 = memref.load %arg1[%get3A_1054] : memref<1024xi32, #tpu.memory_space<smem>>
    %get3A_1056 = arith.index_cast %get3A_1055 : i32 to index
    %get3A_1057 = arith.constant 24 : index
    %get3A_1058 = arith.constant 0 : index
    %get3A_1059 = vector.load %arg2[%get3A_1056, %get3A_1057, %get3A_1058] : memref<8x50x768xf32, #tpu.memory_space<vmem>>, vector<1x26x768xf32>
    %get3A_1060 = vector.shape_cast %get3A_1059 : vector<1x26x768xf32> to vector<26x768xf32>
    %swap3A_1061 = arith.constant 62 : index
    %swap3A_1062 = arith.constant 0 : index
    %swap3A_1063 = arith.constant 0 : index
    %swap3A_1064 = vector.load %arg5[%swap3A_1061, %swap3A_1062, %swap3A_1063] : memref<64x26x768xf32, #tpu.memory_space<vmem>>, vector<1x26x768xf32>
    %swap3A_1065 = vector.shape_cast %swap3A_1064 : vector<1x26x768xf32> to vector<26x768xf32>
    %swap3A_1066 = vector.shape_cast %get3A_1060 : vector<26x768xf32> to vector<1x26x768xf32>
    tpu.vector_store %arg5[%swap3A_1061, %swap3A_1062, %swap3A_1063], %swap3A_1066 {strides = array<i32>} : memref<64x26x768xf32, #tpu.memory_space<vmem>>, vector<1x26x768xf32>,
    %mul3A_1067 = arith.constant 64 : i32
    %mul3A_1068 = arith.muli %arg0, %mul3A_1067 : i32
    %add3A_1069 = arith.constant 63 : i32
    %add3A_1070 = arith.addi %mul3A_1068, %add3A_1069 : i32
    %get3A_1071 = arith.index_cast %add3A_1070 : i32 to index
    %get3A_1072 = memref.load %arg1[%get3A_1071] : memref<1024xi32, #tpu.memory_space<smem>>
    %get3A_1073 = arith.index_cast %get3A_1072 : i32 to index
    %get3A_1074 = arith.constant 24 : index
    %get3A_1075 = arith.constant 0 : index
    %get3A_1076 = vector.load %arg2[%get3A_1073, %get3A_1074, %get3A_1075] : memref<8x50x768xf32, #tpu.memory_space<vmem>>, vector<1x26x768xf32>
    %get3A_1077 = vector.shape_cast %get3A_1076 : vector<1x26x768xf32> to vector<26x768xf32>
    %swap3A_1078 = arith.constant 63 : index
    %swap3A_1079 = arith.constant 0 : index
    %swap3A_1080 = arith.constant 0 : index
    %swap3A_1081 = vector.load %arg5[%swap3A_1078, %swap3A_1079, %swap3A_1080] : memref<64x26x768xf32, #tpu.memory_space<vmem>>, vector<1x26x768xf32>
    %swap3A_1082 = vector.shape_cast %swap3A_1081 : vector<1x26x768xf32> to vector<26x768xf32>
    %swap3A_1083 = vector.shape_cast %get3A_1077 : vector<26x768xf32> to vector<1x26x768xf32>
    tpu.vector_store %arg5[%swap3A_1078, %swap3A_1079, %swap3A_1080], %swap3A_1083 {strides = array<i32>} : memref<64x26x768xf32, #tpu.memory_space<vmem>>, vector<1x26x768xf32>,
    %mul3A_1084 = arith.constant 64 : i32
    %mul3A_1085 = arith.muli %arg0, %mul3A_1084 : i32
    %dma_start3A = arith.constant 24 : i32
    %dma_start3A_1086 = arith.constant 0 : i32
    %dma_start3A_1087 = tpu.memref_slice %arg4[%mul3A_1085, %dma_start3A, %dma_start3A_1086] : memref<1024x50x768xf32, #tpu.memory_space<hbm>> -> memref<64x26x768xf32, #tpu.memory_space<hbm>>
    tpu.enqueue_dma source(%arg5 : memref<64x26x768xf32, #tpu.memory_space<vmem>>) target(%dma_start3A_1087 : memref<64x26x768xf32, #tpu.memory_space<hbm>>) target_semaphore(%arg6 : memref<!tpu.dma_semaphore, #tpu.memory_space<semaphore_mem>>)
    %dma_wait3A = arith.constant 24 : i32
    %dma_wait3A_1088 = arith.constant 0 : i32
    %dma_wait3A_1089 = tpu.memref_slice %arg4[%mul3A_1085, %dma_wait3A, %dma_wait3A_1088] : memref<1024x50x768xf32, #tpu.memory_space<hbm>> -> memref<64x26x768xf32, #tpu.memory_space<hbm>>
    tpu.wait_dma2 semaphore(%arg6 : memref<!tpu.dma_semaphore, #tpu.memory_space<semaphore_mem>>) src(%arg5 : memref<64x26x768xf32, #tpu.memory_space<vmem>>) dst(%dma_wait3A_1089 : memref<64x26x768xf32, #tpu.memory_space<hbm>>)
    return
  }
  func.func @transform_0(%arg0: i32, %arg1: memref<1024xi32, #tpu.memory_space<smem>>) -> (i32, i32, i32) {
    %c0_i32 = arith.constant 0 : i32
    %c0_i32_0 = arith.constant 0 : i32
    %c0_i32_1 = arith.constant 0 : i32
    %c0_i32_2 = arith.constant 0 : i32
    return %c0_i32, %c0_i32_0, %c0_i32_1 : i32, i32, i32
  }
}

</mosaic_0001>

<sc_bundles>
// kernel: kernel.4.cloned.1.call-start
scs
__scs_entry_jumppad:
0x0: {  	(pc) =	sbr.rel $0x88, $3  }
0x1: {  	(tag) =	ssettag $0x0;
	lr =	simm.s32 $0x1  }
0x2: {  	[smem:$0x3F9F] =	sst lr;
	_ =	strace $0xD0000000  }
0x3: {  	_ = 	snop  }
0x4: {  	_ = 	snop  }
0x5: {  	_ = 	snop  }
0x6: {  	_ = 	snop  }
0x7: {  	_ = 	snop  }
__scs_overlays_trampoline_lowered:
0x8: {  	[smem:$0x3FAE] =	sst s0  }
0x9: {  	[smem:$0x3FAF] =	sst s1  }
0xa: {  	[smem:$0x3FB0] =	sst s2  }
0xb: {  	[smem:$0x3FB1] =	sst s3  }
0xc: {  	[smem:$0x3FB2] =	sst s4  }
0xd: {  	[smem:$0x3FB3] =	sst s5  }
0xe: {  	[smem:$0x3FB4] =	sst s6  }
0xf: {  	[smem:$0x3FB5] =	sst s7  }
0x10: {  	[smem:$0x3FB6] =	sst s8  }
0x11: {  	[smem:$0x3FB7] =	sst s9;
	s0 =	simm.s32 @!p0 $0x0  }
0x12: {  	s1 =	sld [smem:$0x3F9D];
	s0 =	simm.s32 @p0 $0x1  }
0x13: {  	[smem:$0x3FB8] =	sst s0;
	s0 =	simm.s32 @!p1 $0x0  }
0x14: {  	s2 =	sld [smem:$0x3F9C];
	s0 =	simm.s32 @p1 $0x1  }
0x15: {  	[smem:$0x3FB9] =	sst s0;
	s0 =	simm.s32 @!p2 $0x0  }
0x16: {  	s3 =	sld [smem:$0x3FDB];
	s0 =	simm.s32 @p2 $0x1  }
0x17: {  	s4 =	simm.s32 $0x1BF5;
	[smem:$0x3FBB] =	sst s0  }
0x18: {  	s0 =	sld [smem:$0x3F9E];
	_ =	swait.ge [sflag:s4], $0x0  }
0x19: {  	s7 =	sld [smem:$0x3F9F]  }
0x1a: {  	s8 =	sadd.s32 $0xFFFFE003, lr  }
0x1b: {  	s9 =	sadd.s32 $0xFFFFFEF7, lr;
	s5 =	simm.s32 $0xFFFFFFFF;
	p2 =	slt.u32 s8, $0xFFFFF086  }
0x1c: {  	p1 =	slt.u32 s9, $0xF7A;
	s5 =	simm.s32 @!p2 $0x0  }
0x1d: {  	s5 =	simm.s32 @p1 $0x1;
	p0 =	seq.s32 s7, s2  }
0x1e: {  	s7 =	smul.u32 @!p0 $0xF7A, s2;
	p2 =	seq.s32 @!p0 s5, $0x0  }
0x1f: {  	s9 =	smul.u32 $0xF7A, s1;
	s8 =	simm.s32 @!p0 $0x1BF5;
	p2 =	por !p2, p0  }
0x20: {  	[sflag:s8] =	ssyncset.s32 @!p0 $0xFFFFF086;
	s6 =	sadd.s32 @!p0 s3, s7;
	s7 =	simm.s32 @!p0 $0x108  }
0x21: {  	s3 =	sadd.s32 s3, s9;
	s6 =	sadd.s32 @!p0 $0x88, s6;
	s7 =	simm.s32 @p2 $0x1082  }
0x22: {  	[simem:s7], [sflag:s8] =	dma.local @!p0 [hbm:s6], $0xF7A  }
0x23: {  	s9 =	sor.u32 $0xD0000000, s2;
	s6 =	simm.s32 $0x108;
	_ =	swait.ge @!p0 [sflag:s8], $0x0  }
0x24: {  	s3 =	sadd.s32 $0x88, s3;
	s6 =	simm.s32 @!p1 $0x1082;
	[sflag:s4] =	ssyncset.s32 $0xFFFFF086  }
0x25: {  	[simem:s6], [sflag:s4] =	dma.local [hbm:s3], $0xF7A  }
0x26: {  	[smem:$0x3F9F] =	sst s1;
	(tag) =	ssettag s2;
	_ =	strace s9  }
0x27: {  	s1 =	sld [smem:$0x3FAF]  }
0x28: {  	s2 =	sld [smem:$0x3FB0]  }
0x29: {  	s4 =	sld [smem:$0x3FB2]  }
0x2a: {  	p0 =	seq.s32 s5, $0x0;
	s5 =	sld [smem:$0x3FB3]  }
0x2b: {  	s6 =	sld [smem:$0x3FB4]  }
0x2c: {  	s7 =	sld [smem:$0x3FB5]  }
0x2d: {  	s3 =	simm.s32 $0x108;
	s8 =	sld [smem:$0x3FB6]  }
0x2e: {  	s3 =	simm.s32 @!p0 $0x1082;
	s9 =	sld [smem:$0x3FB7]  }
0x2f: {  	lr =	sadd.s32 s0, s3;
	s0 =	sld [smem:$0x3FAE]  }
0x30: {  	s3 =	sld [smem:$0x3FB1]  }
0x31: {  	[smem:$0x3FBA] =	sst s10  }
0x32: {  	s10 =	sld [smem:$0x3FB8];
	_ =	sdelay $0x3  }
0x33: {  	p0 =	seq.s32 s10, $0x1;
	s10 =	sld [smem:$0x3FBA];
	_ =	sdelay $0x3  }
0x34: {  	[smem:$0x3FBA] =	sst s10  }
0x35: {  	s10 =	sld [smem:$0x3FB9];
	_ =	sdelay $0x3  }
0x36: {  	p1 =	seq.s32 s10, $0x1;
	s10 =	sld [smem:$0x3FBA];
	_ =	sdelay $0x3  }
0x37: {  	[smem:$0x3FBA] =	sst s10  }
0x38: {  	s10 =	sld [smem:$0x3FBB]  }
0x39: {  	_ = 	snop;
	(pc) =	sbr.ind lr, $3  }
0x3a: {  	_ = 	snop  }
0x3b: {  	_ = 	snop  }
0x3c: {  	p2 =	seq.s32 s10, $0x1;
	s10 =	sld [smem:$0x3FBA]  }
0x3d: {  	_ =	shalt  }
0x3e: {  	_ =	shalt  }
0x3f: {  	_ =	shalt  }
0x40: {  	_ =	shalt  }
0x41: {  	_ =	shalt  }
0x42: {  	_ =	shalt  }
0x43: {  	_ =	shalt  }
0x44: {  	_ =	shalt  }
0x45: {  	_ =	shalt  }
0x46: {  	_ =	shalt  }
0x47: {  	_ =	shalt  }
0x48: {  	_ =	shalt  }
0x49: {  	_ =	shalt  }
0x4a: {  	_ =	shalt  }
0x4b: {  	_ =	shalt  }
0x4c: {  	_ =	shalt  }
0x4d: {  	_ =	shalt  }
0x4e: {  	_ =	shalt  }
0x4f: {  	_ =	shalt  }
0x50: {  	_ =	shalt  }
0x51: {  	_ =	shalt  }
0x52: {  	_ =	shalt  }
0x53: {  	_ =	shalt  }
0x54: {  	_ =	shalt  }
0x55: {  	_ =	shalt  }
0x56: {  	_ =	shalt  }
0x57: {  	_ =	shalt  }
0x58: {  	_ =	shalt  }
0x59: {  	_ =	shalt  }
0x5a: {  	_ =	shalt  }
0x5b: {  	_ =	shalt  }
0x5c: {  	_ =	shalt  }
0x5d: {  	_ =	shalt  }
0x5e: {  	_ =	shalt  }
0x5f: {  	_ =	shalt  }
0x60: {  	_ =	shalt  }
0x61: {  	_ =	shalt  }
0x62: {  	_ =	shalt  }
0x63: {  	_ =	shalt  }
0x64: {  	_ =	shalt  }
0x65: {  	_ =	shalt  }
0x66: {  	_ =	shalt  }
0x67: {  	_ =	shalt  }
0x68: {  	_ =	shalt  }
0x69: {  	_ =	shalt  }
0x6a: {  	_ =	shalt  }
0x6b: {  	_ =	shalt  }
0x6c: {  	_ =	shalt  }
0x6d: {  	_ =	shalt  }
0x6e: {  	_ =	shalt  }
0x6f: {  	_ =	shalt  }
0x70: {  	_ =	shalt  }
0x71: {  	_ =	shalt  }
0x72: {  	_ =	shalt  }
0x73: {  	_ =	shalt  }
0x74: {  	_ =	shalt  }
0x75: {  	_ =	shalt  }
0x76: {  	_ =	shalt  }
0x77: {  	_ =	shalt  }
0x78: {  	_ =	shalt  }
0x79: {  	_ =	shalt  }
0x7a: {  	_ =	shalt  }
0x7b: {  	_ =	shalt  }
0x7c: {  	_ =	shalt  }
0x7d: {  	_ =	shalt  }
0x7e: {  	_ =	shalt  }
0x7f: {  	_ =	shalt  }
0x80: {  	_ =	shalt  }
0x81: {  	_ =	shalt  }
0x82: {  	_ =	shalt  }
0x83: {  	_ =	shalt  }
0x84: {  	_ =	shalt  }
0x85: {  	_ =	shalt  }
0x86: {  	_ =	shalt  }
0x87: {  	_ =	shalt  }
.Lfunc_end0:
.L_simem_size_0:
called_computation_lowered:
.L_overlay_start_0:
0x88: {  	s2 =	sld [smem:$0x3FD9]  }
0x89: {  	s3 =	sld [smem:$0x3FFE];
	_ =	sdelay $0x1  }
0x8a: {  	s1 =	srdreg.scid  }
0x8b: {  	s0 =	sand.u32 $0x1, s1  }
0x8c: {  	s16 =	sshll.u32 s0, $0xA;
	s2 =	sadd.s32 s3, s2  }
0x8d: {  	s2 =	sadd.s32 s2, s16  }
0x8e: {  	[smem:$0x3FC6] =	sst s2  }
0x8f: {  	_ = 	snop  }
0x90: {  	(tm) =	ssettm $0x1  }
0x91: {  	s17 =	sld [smem:$0x3FFB];
	_ =	sdelay $0x3  }
0x92: {  	_ =	strace s17  }
0x93: {  	s2 =	sld [smem:$0x3FFC];
	_ =	sdelay $0x3  }
0x94: {  	_ =	strace s2  }
0x95: {  	s2 =	sld [smem:$0x3FFD];
	_ =	sdelay $0x3  }
0x96: {  	_ =	strace s2  }
0x97: {  	_ =	strace $0x8FFFFFFF  }
0x98: {  	s18 =	sld [smem:$0x3FDB];
	_ =	sdelay $0x1  }
0x99: {  	s19 =	simm.s32 $_scs_section_size  }
0x9a: {  	s4 =	simm.s32 $_size__tile_overlayer_lowered;
	s5 =	simm.s32 $_tile_overlayer_lowered  }
0x9b: {  	s22 =	simm.s32 $0x1BFF;
	s21 =	sshll.u32 s5, $0x1;
	s2 =	sadd.s32 s19, s18  }
0x9c: {  	s6 =	simm.s32 $0x0;
	s20 =	sshll.u32 s4, $0x1;
	s4 =	sadd.s32 s21, s2  }
0x9d: {  	[timem:s6], [sflag:s22] =	dma.local [hbm:s4], s20  }
0x9e: {  	_ =	swait.ge [sflag:s22], s20  }
0x9f: {  	s3 =	ssub.s32 $0x0, s20;
	[sflag:s22] =	ssyncset.done $0x0  }
0xa0: {  	[sflag:s22] =	ssyncadd.s32 s3;
	_ =	sdelay $0x1  }
0xa1: {  	s23 =	simm.s32 $0x1B8B  }
0xa2: {  	_ =	swait.ge [sflag:s23], $0x1  }
0xa3: {  	[sflag:s23] =	ssyncset.done $0x0  }
0xa4: {  	s25 =	simm.s32 $0x1B8E;
	s24 =	sld [smem:$0x3FFE];
	[sflag:s23] =	ssyncadd.s32 $0xFFFFFFFF  }
0xa5: {  	s26 =	simm.s32 $execute0_lowered;
	[smem:$0x3FD2] =	sst s25  }
0xa6: {  	s4 =	sshll.u32 s26, $0x1;
	_ =	strace $0x80000046;
	[dreg:$0x1] =	wrdreg $0xFFFFFFFF  }
0xa7: {  	s28 =	simm.s32 $_size_execute0_lowered;
	s2 =	sadd.s32 s2, s4;
	[dreg:$0x0] =	wrdreg $0x0  }
0xa8: {  	s4 =	sshll.u32 s28, $0x1;
	[dreg:$0x2] =	wrdreg s2  }
0xa9: {  	[dreg:$0x3] =	wrdreg s4  }
0xaa: {  	[dreg:$0x4] =	wrdreg $0xC0  }
0xab: {  	_ =	task [dreg:s6], $0x5FFFF  }
0xac: {  	[dreg:$0x1] =	wrdreg $0xFFFFFFFF  }
0xad: {  	[dreg:$0x0] =	wrdreg $0x60  }
0xae: {  	[dreg:$0x2] =	wrdreg s24  }
0xaf: {  	[dreg:$0x3] =	wrdreg $0x9  }
0xb0: {  	_ =	task.clear_ibuf [dreg:s6], $0x4FFFF;
	_ =	strace $0x90000046  }
0xb1: {  	s29 =	simm.s32 $0x9;
	_ =	strace $0x80000048  }
0xb2: {  	_ =	swait.ge [sflag:s29], $0x1  }
0xb3: {  	[sflag:s29] =	ssyncadd.s32 $0xFFFFFFFF  }
0xb4: {  	_ =	strace $0x90000048  }
0xb5: {  	_ =	sfence  }
0xb6: {  	s30 =	sld [smem:$0x0];
	_ =	sdelay $0x2  }
0xb7: {  	s31 =	sshll.u32 s1, $0xD;
	s1 =	sshrl.u32 s1, $0x2  }
0xb8: {  	s3 =	sand.u32 $0x4000, s31;
	s1 =	sadd.s32 s1, s30  }
0xb9: {  	s0 =	sor.u32 s3, s0;
	s1 =	sshll.u32 s1, $0x11  }
0xba: {  	s0 =	sor.u32 s1, s0  }
0xbb: {  	s0 =	sadd.s32 $0x8F2B, s0  }
0xbc: {  	[sflag:s0] =	ssyncadd.remote.s32 $0x1  }
0xbd: {  	_ =	sfence.sel $0xFFFF  }
0xbe: {  	[dreg:$0x0] =	wrdreg $0xFFFFFFFF;
	(pc) =	sbr.abs _section_cstart, $3  }
0xbf: {  	[dreg:$0x1] =	wrdreg $0xFFFFFFFF  }
0xc0: {  	_ =	task.clear_ibuf [dreg:s6], $0x2FFFF;
	_ =	strace $0x9FFFFFFF  }
0xc1: {  	(tm) =	ssettm $0x7FFFFFFF  }
tec
execute0_lowered:
.L_overlay_start_1:
0x0: {  	(tag) =	ssettag $0x1  }
0x1: {  	s1 =	srdreg.scid  }
0x2: {  	s0 =	stileid.u32;
	s5 =	rddreg [dreg:$0x0]  }
0x3: {  	s2 =	simm.s32 $0x0;
	s12 =	simm.s32 $0xA000;
	s13 =	simm.s32 $0x1  }
0x4: {  	s14 =	simm.s32 $0x2;
	s15 =	simm.s32 $0x3;
	s16 =	simm.s32 $0x4  }
0x5: {  	s17 =	simm.s32 $0x5;
	s18 =	simm.s32 $0x6;
	s19 =	simm.s32 $0x0  }
0x6: {  	s4 =	sand.u32 $0x1, s1;
	s3 =	sshll.u32 s0, $0x6;
	s1 =	rddreg [dreg:$0x1]  }
0x7: {  	[smem:$0x7FF] =	sst s2;
	s10 =	smul.u32 $0x54000, s0;
	s6 =	sshll.u32 s4, $0x5  }
0x8: {  	s8 =	sadd.s32 $0x9200, s5;
	s11 =	smul.u32 $0x2A000, s4;
	s3 =	sor.u32 s6, s3  }
0x9: {  	_ =	strace $0x80000047;
	s31 =	ssub.s32 $0x2, s4;
	s7 =	smul.u32 $0xA800, s3  }
0xa: {  	s9 =	sshrl.u32 s31, $0x1;
	s6 =	sshll.u32 s3, $0x4;
	s3 =	sadd.s32 $0x4A00, s5  }
.Ltmp0:
0xb: {  	s6 =	sadd.s32 s6, s5;
	s7 =	sshrl.u32 s7, $0x3;
	(pc) =	sbr.rel .LBB2_1-.Ltmp0, $4  }
0xc: {  	s9 =	ssub.s32 s31, s9;
	s4 =	sadd.s32 $0xA00, s6;
	s7 =	sadd.s32 s8, s7  }
0xd: {  	s8 =	sadd.s32 s10, s8;
	s10 =	simm.s32 $0x1000;
	s5 =	sadd.s32 $0x27600, s7  }
0xe: {  	s6 =	sadd.s32 $0x28B00, s7;
	s7 =	smax.u32 s9, $0x1;
	s8 =	sadd.s32 s11, s8  }
0xf: {  	vm0 =	vmmov $0x1;
	v0 =	vlaneseq.u32;
	s9 =	simm.s32 $0x7;
	s11 =	simm.s32 $0x5800;
	s8 =	sadd.s32 $0x2A00, s8  }
.LBB2_4:
0x10: {  	_ =	swait.ge [sflag:s13], $0x4800  }
0x11: {  	[sflag:s13] =	ssyncset.done $0x0  }
0x12: {  	[sflag:s13] =	ssyncadd.s32 $0xFFFFB800  }
0x13: {  	[hbm4b:s5+s2] =	stream.linear.scatter [tilespmem:s10], [sflag:$0x4], $0x4800, $0x38;
	[tilespmem:$0xE800] =	vst v63  }
0x14: {  	_ =	swait.ge [sflag:s16], $0x4800  }
0x15: {  	[sflag:s16] =	ssyncset.done $0x0  }
0x16: {  	[sflag:s16] =	ssyncadd.s32 $0xFFFFB800  }
0x17: {  	s19 =	sadd.s32 $0x1, s19;
	_ =	swait.ge [sflag:s14], $0x4800  }
0x18: {  	p0 =	sne.s32 s19, s7;
	[sflag:s14] =	ssyncset.done $0x0  }
.Ltmp1:
0x19: {  	[sflag:s14] =	ssyncadd.s32 $0xFFFFB800;
	(pc) =	sbr.rel @!p0 .LBB2_5-.Ltmp1, $4  }
0x1a: {  	[hbm4b:s6+s2] =	stream.linear.scatter [tilespmem:s11], [sflag:$0x5], $0x4800, $0x38;
	[tilespmem:$0xE800] =	vst v63  }
0x1b: {  	_ =	swait.ge [sflag:s17], $0x4800  }
0x1c: {  	[sflag:s17] =	ssyncset.done $0x0  }
0x1d: {  	[sflag:s17] =	ssyncadd.s32 $0xFFFFB800  }
.LBB2_1:
0x1e: {  	[tilespmem:s2], [sflag:$0x7] =	stream.linear.gather [hbm4b:s4+s2], $0x1000, $0x38;
	[tilespmem:$0xE800] =	vst v63  }
0x1f: {  	_ =	swait.ge [sflag:s9], $0x1000  }
0x20: {  	[sflag:s9] =	ssyncset.done $0x0  }
0x21: {  	[sflag:s9] =	ssyncadd.s32 $0xFFFFF000  }
0x22: {  	v1 =	vld.msk [tilespmem:$0x0], $0x1;
	_ =	sdelay $0x4  }
0x23: {  	v1 =	vmul.u32 $0x4800, v1;
	_ =	sdelay $0x1  }
0x24: {  	v1 =	vperm.xlane v1, v0;
	_ =	sdelay $0x5  }
0x25: {  	[tilespmem:s10], [sflag:$0x1] =	stream.indirect_vreg.gather [hbm4b:s3+s2], $0x4800, v1, vm0, $0x38;
	[tilespmem:$0xE800] =	vst v63  }
0x26: {  	v1 =	vld.msk [tilespmem:$0x80], $0x1;
	_ =	sdelay $0x4  }
0x27: {  	v1 =	vmul.u32 $0x4800, v1;
	_ =	sdelay $0x1  }
0x28: {  	v1 =	vperm.xlane v1, v0;
	_ =	sdelay $0x5  }
0x29: {  	[tilespmem:s11], [sflag:$0x2] =	stream.indirect_vreg.gather [hbm4b:s3+s2], $0x4800, v1, vm0, $0x38;
	[tilespmem:$0xE800] =	vst v63  }
0x2a: {  	v1 =	vld.msk [tilespmem:$0x100], $0x1;
	_ =	sdelay $0x4  }
0x2b: {  	v1 =	vmul.u32 $0x4800, v1;
	_ =	sdelay $0x1  }
0x2c: {  	v1 =	vperm.xlane v1, v0;
	_ =	sdelay $0x4  }
0x2d: {  	s20 =	simm.s32 $0x0;
	s21 =	smov.u32 s8  }
0x2e: {  	[tilespmem:s12], [sflag:$0x3] =	stream.indirect_vreg.gather [hbm4b:s3+s2], $0x4800, v1, vm0, $0x38;
	[tilespmem:$0xE800] =	vst v63  }
.LBB2_2:
0x2f: {  	_ =	swait.ge [sflag:s13], $0x4800  }
0x30: {  	[sflag:s13] =	ssyncset.done $0x0  }
0x31: {  	s22 =	sadd.s32 $0xFFFFD600, s21;
	[sflag:s13] =	ssyncadd.s32 $0xFFFFB800  }
0x32: {  	[hbm4b:s22+s2] =	stream.linear.scatter [tilespmem:s10], [sflag:$0x4], $0x4800, $0x38;
	[tilespmem:$0xE800] =	vst v63  }
0x33: {  	_ =	swait.ge [sflag:s14], $0x4800  }
0x34: {  	[sflag:s14] =	ssyncset.done $0x0  }
0x35: {  	s31 =	sadd.s32 $0xFFFFEB00, s21;
	[sflag:s14] =	ssyncadd.s32 $0xFFFFB800  }
0x36: {  	[hbm4b:s31+s2] =	stream.linear.scatter [tilespmem:s11], [sflag:$0x5], $0x4800, $0x38;
	[tilespmem:$0xE800] =	vst v63  }
0x37: {  	_ =	swait.ge [sflag:s15], $0x4800  }
0x38: {  	[sflag:s15] =	ssyncset.done $0x0  }
0x39: {  	[sflag:s15] =	ssyncadd.s32 $0xFFFFB800  }
0x3a: {  	[hbm4b:s21+s2] =	stream.linear.scatter [tilespmem:s12], [sflag:$0x6], $0x4800, $0x38;
	[tilespmem:$0xE800] =	vst v63  }
0x3b: {  	_ =	swait.ge [sflag:s16], $0x4800  }
0x3c: {  	[sflag:s16] =	ssyncset.done $0x0  }
0x3d: {  	s22 =	sshra.s32 s20, $0x2;
	[sflag:s16] =	ssyncadd.s32 $0xFFFFB800  }
0x3e: {  	v1 =	vld.msk [tilespmem:s22+$0x180], $0x1;
	_ =	sdelay $0x4  }
0x3f: {  	v1 =	vmul.u32 $0x4800, v1;
	_ =	sdelay $0x1  }
0x40: {  	v1 =	vperm.xlane v1, v0;
	_ =	sdelay $0x5  }
0x41: {  	[tilespmem:s10], [sflag:$0x1] =	stream.indirect_vreg.gather [hbm4b:s3+s2], $0x4800, v1, vm0, $0x38;
	[tilespmem:$0xE800] =	vst v63  }
0x42: {  	_ =	swait.ge [sflag:s17], $0x4800  }
0x43: {  	[sflag:s17] =	ssyncset.done $0x0  }
0x44: {  	[sflag:s17] =	ssyncadd.s32 $0xFFFFB800  }
0x45: {  	v1 =	vld.msk [tilespmem:s22+$0x200], $0x1;
	_ =	sdelay $0x4  }
0x46: {  	v1 =	vmul.u32 $0x4800, v1;
	_ =	sdelay $0x1  }
0x47: {  	v1 =	vperm.xlane v1, v0;
	_ =	sdelay $0x3  }
0x48: {  	p0 =	seq.s32 s20, $0x3600  }
.Ltmp2:
0x49: {  	_ = 	snop;
	(pc) =	sbr.rel @p0 .LBB2_4-.Ltmp2, $4  }
0x4a: {  	[tilespmem:s11], [sflag:$0x2] =	stream.indirect_vreg.gather [hbm4b:s3+s2], $0x4800, v1, vm0, $0x38;
	[tilespmem:$0xE800] =	vst v63  }
0x4b: {  	_ =	swait.ge [sflag:s18], $0x4800  }
0x4c: {  	[sflag:s18] =	ssyncset.done $0x0  }
0x4d: {  	[sflag:s18] =	ssyncadd.s32 $0xFFFFB800  }
0x4e: {  	v1 =	vld.msk [tilespmem:s22+$0x280], $0x1;
	_ =	sdelay $0x4  }
0x4f: {  	v1 =	vmul.u32 $0x4800, v1;
	_ =	sdelay $0x1  }
0x50: {  	v1 =	vperm.xlane v1, v0;
	_ =	sdelay $0x1  }
.Ltmp3:
0x51: {  	_ = 	snop;
	(pc) =	sbr.rel .LBB2_2-.Ltmp3, $3  }
0x52: {  	_ =	sdelay $0x1  }
0x53: {  	s21 =	sadd.s32 $0x3F00, s21;
	s20 =	sadd.s32 $0x600, s20  }
0x54: {  	[tilespmem:s12], [sflag:$0x3] =	stream.indirect_vreg.gather [hbm4b:s3+s2], $0x4800, v1, vm0, $0x38;
	[tilespmem:$0xE800] =	vst v63  }
.LBB2_5:
0x55: {  	_ =	sfence.sel $0x180000  }
0x56: {  	[bflag:$0x0] =	sbarrier.arrive $0xFFFF  }
0x57: {  	p0 =	sne.s32 s0, $0x0;
	_ =	strace $0x90000047  }
0x58: {  	s0 =	sadd.s32 @!p0 $0x100000, s1;
	[bflag:$0x2] =	sbarrier.arrive $0xFFFF  }
0x59: {  	[sflag:s0] =	ssyncadd.tile.s32 @!p0 $0x1;
	_ =	shalt  }
.Lfunc_end2:
_tile_overlayer_lowered:
.L_overlay_start_2:
0x5a: {  	(tag) =	ssettag $0x2  }
0x5b: {  	s0 =	rddreg [dreg:$0x0];
	s2 =	stileid.u32  }
0x5c: {  	s1 =	rddreg [dreg:$0x1];
	p0 =	sne.s32 s2, $0x0  }
0x5d: {  	s3 =	rddreg [dreg:$0x2];
	[bflag:$0x3] =	sbarrier.arrive $0xFFFF;
	s2 =	simm.s32 @!p0 $0x1C07  }
0x5e: {  	[timem:s3], [sflag:s2] =	dma.local @!p0 [hbm:s0], s1  }
0x5f: {  	s0 =	simm.s32 @!p0 $0x7  }
0x60: {  	_ =	swait.ge @!p0 [sflag:s0], s1  }
0x61: {  	s1 =	ssub.s32 @!p0 $0x0, s1;
	[sflag:s0] =	ssyncset.done @!p0 $0x0  }
0x62: {  	[sflag:s0] =	ssyncadd.s32 @!p0 s1  }
0x63: {  	[bflag:$0x3] =	sbarrier.arrive $0xFFFF  }
0x64: {  	_ =	shalt  }

</sc_bundles>
